<compile_context>
chip_gen: v7x
topology: tpu7x:2x2x1
jax: 0.10.2.dev20260603
libtpu: 0.0.44.dev20260713+nightly
codegen_flags: <defaults>
</compile_context>

<pallas_src>
import functools

import jax
import jax.numpy as jnp
from jax import lax
from jax.experimental import pallas as pl
from jax.experimental.pallas import tpu as pltpu
from jax.experimental.pallas import tpu_sc as plsc

N_IN = 20000
N_PAD = 20480
PRE_NMS = 6000
C_PAD = 6144
D_PAD = 7168
PROPOSAL_COUNT = 1000
OUT_PAD = 1024
NMS_THRESHOLD = 0.7
IMG_H = 1024.0
IMG_W = 1024.0

_BLK = 256
_NBLK = C_PAD // _BLK
_JCH = 1024
_NJCH = C_PAD // _JCH
_ROWS = N_PAD // 128
_NW = 32

_HI = lax.Precision.HIGHEST


def _k1_select(s2d_ref, sidx_ref):
    u = lax.bitcast_convert_type(s2d_ref[...], jnp.int32)

    tri128 = jnp.where(
        lax.broadcasted_iota(jnp.int32, (128, 128), 0)
        <= lax.broadcasted_iota(jnp.int32, (128, 128), 1),
        1.0, 0.0).astype(jnp.float32)
    tris = jnp.where(
        lax.broadcasted_iota(jnp.int32, (_ROWS, _ROWS), 1)
        < lax.broadcasted_iota(jnp.int32, (_ROWS, _ROWS), 0),
        1.0, 0.0).astype(jnp.float32)

    def excl_cumsum(m):
        incl = lax.dot_general(m, tri128, (((1,), (0,)), ((), ())),
                               preferred_element_type=jnp.float32)
        rowsum = incl[:, 127:128]
        rowpref = lax.dot_general(tris, rowsum, (((1,), (0,)), ((), ())),
                                  preferred_element_type=jnp.float32)
        return incl + rowpref - m

    def bs(_, carry):
        lo, hi = carry
        mid = (lo + hi + 1) >> 1
        cnt = jnp.sum(jnp.where(u >= mid, 1.0, 0.0))
        ok = cnt >= float(PRE_NMS)
        return (jnp.where(ok, mid, lo), jnp.where(ok, hi, mid - 1))

    lo, _ = lax.fori_loop(0, 30, bs,
                          (jnp.int32(0), jnp.int32(0x3F800000)))
    t_val = lo
    gt = u > t_val
    n_gt = jnp.sum(jnp.where(gt, 1.0, 0.0))
    m_eq = jnp.where(u == t_val, 1.0, 0.0)
    quota = float(PRE_NMS) - n_gt
    eqex = excl_cumsum(m_eq)
    tie_sel = (m_eq > 0.5) & (eqex < quota)
    msel = jnp.where(gt | tie_sel, 1.0, 0.0)
    pose = excl_cumsum(msel).astype(jnp.int32)

    flat = (128 * lax.broadcasted_iota(jnp.int32, (_ROWS, 128), 0)
            + lax.broadcasted_iota(jnp.int32, (_ROWS, 128), 1))
    posu = flat - pose
    unsel = jnp.where(posu < C_PAD - PRE_NMS,
                      PRE_NMS + posu,
                      C_PAD + (posu & (D_PAD - C_PAD - 1)))
    sidx_ref[...] = jnp.where(msel > 0.5, pose, unsel)


def _make_sc_scatter(n_src, n_dst):
    n_per_w = n_src // _NW
    mesh = plsc.VectorSubcoreMesh(core_axis_name="c", subcore_axis_name="s")

    @functools.partial(
        pl.kernel,
        out_type=jax.ShapeDtypeStruct((n_dst, 128), jnp.float32),
        mesh=mesh,
        scratch_types=[pltpu.VMEM((n_per_w,), jnp.int32),
                       pltpu.VMEM((n_per_w, 128), jnp.float32),
                       pltpu.SemaphoreType.DMA],
    )
    def k(idx_hbm, rows_hbm, dst_hbm, idx_v, rows_v, sem):
        wid = lax.axis_index("s") * 2 + lax.axis_index("c")
        base = wid * n_per_w
        pltpu.sync_copy(idx_hbm.at[pl.ds(base, n_per_w)], idx_v)
        pltpu.sync_copy(rows_hbm.at[pl.ds(base, n_per_w)], rows_v)
        pltpu.async_copy(rows_v, dst_hbm.at[idx_v], sem).wait()

    return k


def _k2_decode_rank(cmp_ref, dec_ref, rankc_ref, srow_ref):
    acc = cmp_ref[...]

    d0 = acc[:, 0:1]
    d1 = acc[:, 1:2]
    d2 = acc[:, 2:3]
    d3 = acc[:, 3:4]
    ay1 = acc[:, 4:5]
    ax1 = acc[:, 5:6]
    ay2 = acc[:, 6:7]
    ax2 = acc[:, 7:8]
    sc = acc[:, 8:9]

    height = ay2 - ay1
    width = ax2 - ax1
    center_y = ay1 + 0.5 * height
    center_x = ax1 + 0.5 * width
    center_y = center_y + d0 * height
    center_x = center_x + d1 * width
    height = height * jnp.exp(d2)
    width = width * jnp.exp(d3)
    y1 = center_y - 0.5 * height
    x1 = center_x - 0.5 * width
    y2 = y1 + height
    x2 = x1 + width
    y1 = jnp.clip(y1, 0.0, IMG_H)
    x1 = jnp.clip(x1, 0.0, IMG_W)
    y2 = jnp.clip(y2, 0.0, IMG_H)
    x2 = jnp.clip(x2, 0.0, IMG_W)
    area = jnp.maximum(y2 - y1, 0.0) * jnp.maximum(x2 - x1, 0.0)

    z = jnp.zeros((C_PAD, 1), jnp.float32)
    dec_ref[...] = jnp.concatenate(
        [y1, x1, y2, x2, area, sc, z, z, z, z, z, z, z, z, z, z], axis=1)

    i256 = jnp.where(
        lax.broadcasted_iota(jnp.int32, (_BLK, _BLK), 0)
        == lax.broadcasted_iota(jnp.int32, (_BLK, _BLK), 1),
        1.0, 0.0).astype(jnp.float32)

    def row_from_col(v):
        return lax.dot_general(v, i256, (((0,), (0,)), ((), ())),
                               precision=_HI,
                               preferred_element_type=jnp.float32)

    def trow(t, _):
        scol = dec_ref[pl.ds(t * _BLK, _BLK), 5:6]
        srow_ref[0:1, pl.ds(t * _BLK, _BLK)] = row_from_col(scol)
        return 0

    lax.fori_loop(0, _NBLK, trow, 0)

    def rank_tile(t, _):
        si = dec_ref[pl.ds(t * _BLK, _BLK), 5:6]
        ii = t * _BLK + lax.broadcasted_iota(jnp.int32, (_BLK, 1), 0)

        def inner(c, cnt):
            sj = srow_ref[:, pl.ds(c * _JCH, _JCH)]
            jj = c * _JCH + lax.broadcasted_iota(jnp.int32, (1, _JCH), 1)
            cmp = (sj > si) | ((sj == si) & (jj < ii))
            return cnt + jnp.sum(jnp.where(cmp, 1.0, 0.0),
                                 axis=1, keepdims=True)

        cnt = lax.fori_loop(0, _NJCH, inner,
                            jnp.zeros((_BLK, 1), jnp.float32))
        rankc_ref[pl.ds(t * _BLK, _BLK), :] = cnt.astype(jnp.int32)
        return 0

    lax.fori_loop(0, _NBLK, rank_tile, 0)


def _k3_nms_assemble(bc_ref, br_ref, out_ref, kept_ref, pos_ref):
    i256 = jnp.where(
        lax.broadcasted_iota(jnp.int32, (_BLK, _BLK), 0)
        == lax.broadcasted_iota(jnp.int32, (_BLK, _BLK), 1),
        1.0, 0.0).astype(jnp.float32)
    ltm = jnp.where(
        lax.broadcasted_iota(jnp.int32, (_BLK, _BLK), 0)
        < lax.broadcasted_iota(jnp.int32, (_BLK, _BLK), 1),
        1.0, 0.0).astype(jnp.float32)
    tri = jnp.where(
        lax.broadcasted_iota(jnp.int32, (_BLK, _BLK), 0)
        <= lax.broadcasted_iota(jnp.int32, (_BLK, _BLK), 1),
        1.0, 0.0).astype(jnp.float32)

    def row_from_col(v):
        return lax.dot_general(v, i256, (((0,), (0,)), ((), ())),
                               preferred_element_type=jnp.float32)

    def col_from_row(v):
        return lax.dot_general(i256, v, (((1,), (1,)), ((), ())),
                               preferred_element_type=jnp.float32)

    kept_ref[...] = jnp.zeros((1, C_PAD), jnp.float32)

    def block(t, _):
        base = t * _BLK
        y1b = bc_ref[pl.ds(base, _BLK), 0:1]
        x1b = bc_ref[pl.ds(base, _BLK), 1:2]
        y2b = bc_ref[pl.ds(base, _BLK), 2:3]
        x2b = bc_ref[pl.ds(base, _BLK), 3:4]
        area_b = jnp.maximum(y2b - y1b, 0.0) * jnp.maximum(x2b - x1b, 0.0)

        def chunk(c, sup):
            sl = pl.ds(c * _JCH, _JCH)
            y1c = br_ref[0:1, sl]
            x1c = br_ref[1:2, sl]
            y2c = br_ref[2:3, sl]
            x2c = br_ref[3:4, sl]
            area_c = br_ref[4:5, sl]
            kc = kept_ref[0:1, sl]
            yy1 = jnp.maximum(y1b, y1c)
            xx1 = jnp.maximum(x1b, x1c)
            yy2 = jnp.minimum(y2b, y2c)
            xx2 = jnp.minimum(x2b, x2c)
            inter = jnp.maximum(yy2 - yy1, 0.0) * jnp.maximum(xx2 - xx1, 0.0)
            union = area_b + area_c - inter
            ious = inter / (union + 1e-9)
            hit = jnp.where((ious > NMS_THRESHOLD) & (kc > 0.5), 1.0, 0.0)
            return jnp.maximum(sup, jnp.max(hit, axis=1, keepdims=True))

        sup_col = lax.fori_loop(0, t // (_JCH // _BLK) + 1, chunk,
                                jnp.zeros((_BLK, 1), jnp.float32))

        sb = pl.ds(base, _BLK)
        y1s = br_ref[0:1, sb]
        x1s = br_ref[1:2, sb]
        y2s = br_ref[2:3, sb]
        x2s = br_ref[3:4, sb]
        area_s = br_ref[4:5, sb]
        yy1 = jnp.maximum(y1b, y1s)
        xx1 = jnp.maximum(x1b, x1s)
        yy2 = jnp.minimum(y2b, y2s)
        xx2 = jnp.minimum(x2b, x2s)
        inter = jnp.maximum(yy2 - yy1, 0.0) * jnp.maximum(xx2 - xx1, 0.0)
        union = area_b + area_s - inter
        ious = inter / (union + 1e-9)
        of = jnp.where(ious > NMS_THRESHOLD, 1.0, 0.0) * ltm

        jrow = base + lax.broadcasted_iota(jnp.int32, (1, _BLK), 1)
        invalid = jnp.where(jrow >= PRE_NMS, 1.0, 0.0)
        sup0 = jnp.maximum(row_from_col(sup_col), invalid)
        dec0 = jnp.zeros((1, _BLK), jnp.float32)

        def cond(state):
            sup, dec = state
            return jnp.sum((1.0 - sup) * (1.0 - dec)) > 0.5

        def wave(state):
            sup, dec = state
            und = (1.0 - sup) * (1.0 - dec)
            undc = col_from_row(und)
            blocked = jnp.max(of * undc, axis=0, keepdims=True)
            newk = und * (1.0 - blocked)
            dec = jnp.maximum(dec, newk)
            decc = col_from_row(dec)
            supn = jnp.max(of * decc, axis=0, keepdims=True)
            sup = jnp.maximum(sup, supn * (1.0 - dec))
            return (sup, dec)

        _, dec = lax.while_loop(cond, wave, (sup0, dec0))
        kept_ref[0:1, pl.ds(base, _BLK)] = dec
        return 0

    lax.fori_loop(0, _NBLK, block, 0)

    def csum(c, carry):
        kc = kept_ref[0:1, pl.ds(c * _BLK, _BLK)]
        inc = lax.dot_general(kc, tri, (((1,), (0,)), ((), ())),
                              preferred_element_type=jnp.float32)
        pos_ref[0:1, pl.ds(c * _BLK, _BLK)] = inc + carry
        return carry + jnp.sum(kc)

    nkept = lax.fori_loop(0, _NBLK, csum, jnp.float32(0.0))

    kept = kept_ref[...]
    pos_excl = pos_ref[...] - kept
    pio = lax.broadcasted_iota(jnp.int32, (OUT_PAD, 1), 0).astype(jnp.float32)
    jio = lax.broadcasted_iota(jnp.int32, (1, C_PAD), 1)
    eq = (kept > 0.5) & (pos_excl == pio)
    fb = (pio >= nkept) & (jio == 0)
    oh = jnp.where(eq | fb, 1.0, 0.0).astype(jnp.float32)
    res = lax.dot_general(oh, bc_ref[...], (((1,), (0,)), ((), ())),
                          precision=_HI, preferred_element_type=jnp.float32)
    scale = 1.0 / IMG_H
    z = jnp.zeros((OUT_PAD, 1), jnp.float32)
    out_ref[...] = jnp.concatenate(
        [res[:, 0:1] * scale, res[:, 1:2] * scale,
         res[:, 2:3] * scale, res[:, 3:4] * scale,
         res[:, 5:6], z, z, z, z, z, z, z, z, z, z, z], axis=1)


@functools.partial(jax.jit, static_argnames=("interpret",))
def _pipeline(rpn_pred_probs, rpn_box_deltas, anchors, interpret=False):
    scores = rpn_pred_probs[:, 1]
    pad = N_PAD - N_IN
    sp = jnp.concatenate([scores, jnp.full((pad,), -1.0, jnp.float32)])
    s2d = sp.reshape(_ROWS, 128)
    dz = jnp.zeros((pad, 4), jnp.float32)
    vals = jnp.concatenate(
        [jnp.concatenate([rpn_box_deltas, dz], axis=0),
         jnp.concatenate([anchors, dz], axis=0),
         sp.reshape(N_PAD, 1),
         jnp.zeros((N_PAD, 119), jnp.float32)], axis=1)

    sidx = pl.pallas_call(
        _k1_select,
        out_shape=jax.ShapeDtypeStruct((_ROWS, 128), jnp.int32),
        interpret=interpret,
    )(s2d)

    cmp16 = _make_sc_scatter(N_PAD, D_PAD)(sidx.reshape(N_PAD), vals)
    cmp16 = cmp16[:C_PAD, :16]

    dec, rankc = pl.pallas_call(
        _k2_decode_rank,
        out_shape=[jax.ShapeDtypeStruct((C_PAD, 16), jnp.float32),
                   jax.ShapeDtypeStruct((C_PAD, 1), jnp.int32)],
        scratch_shapes=[pltpu.VMEM((1, C_PAD), jnp.float32)],
        interpret=interpret,
    )(cmp16)

    dec128 = jnp.concatenate(
        [dec, jnp.zeros((C_PAD, 112), jnp.float32)], axis=1)
    bc = _make_sc_scatter(C_PAD, C_PAD)(rankc.reshape(C_PAD), dec128)
    bc = bc[:, :16]

    br = bc.T

    res = pl.pallas_call(
        _k3_nms_assemble,
        out_shape=jax.ShapeDtypeStruct((OUT_PAD, 16), jnp.float32),
        scratch_shapes=[pltpu.VMEM((1, C_PAD), jnp.float32),
                        pltpu.VMEM((1, C_PAD), jnp.float32)],
        interpret=interpret,
    )(bc, br)

    return res[:PROPOSAL_COUNT, :5]


def kernel(rpn_pred_probs, rpn_box_deltas, anchors):
    return _pipeline(rpn_pred_probs, rpn_box_deltas, anchors)

# --- scband reference (transcript-rebuilt; emitter-appended) ---
"""Pipeline reference for scband-rpnbase-model-58076547777054 (READ-ONLY COPY).

The authoritative reference and input builder live on the scoring server;
editing this copy changes nothing except your own understanding.
"""

import jax, jax.numpy as jnp
import numpy as np

N = 20000
PRE_NMS = 6000
PROPOSAL_COUNT = 1000
NMS_THRESHOLD = 0.7
IMG_H = 1024.0
IMG_W = 1024.0


def setup_inputs(seed: int = 0) -> dict:
    key = jax.random.key(seed)
    k1, k2, k3, k4, k5, k6 = jax.random.split(key, 6)
    rpn_pred_probs = jax.random.uniform(k1, (N, 2), dtype=jnp.float32)
    rpn_box_deltas = jax.random.normal(k2, (N, 4), dtype=jnp.float32) * 0.1
    cy = jax.random.uniform(k3, (N,), dtype=jnp.float32) * IMG_H
    cx = jax.random.uniform(k4, (N,), dtype=jnp.float32) * IMG_W
    h = jax.random.uniform(k5, (N,), dtype=jnp.float32) * 240.0 + 16.0
    w = jax.random.uniform(k6, (N,), dtype=jnp.float32) * 240.0 + 16.0
    anchors = jnp.stack([cy - 0.5 * h, cx - 0.5 * w, cy + 0.5 * h, cx + 0.5 * w], axis=1)
    return {"rpn_pred_probs": rpn_pred_probs, "rpn_box_deltas": rpn_box_deltas, "anchors": anchors}


def _apply_box_deltas(boxes, deltas):
    height = boxes[:, 2] - boxes[:, 0]
    width = boxes[:, 3] - boxes[:, 1]
    center_y = boxes[:, 0] + 0.5 * height
    center_x = boxes[:, 1] + 0.5 * width
    center_y = center_y + deltas[:, 0] * height
    center_x = center_x + deltas[:, 1] * width
    height = height * jnp.exp(deltas[:, 2])
    width = width * jnp.exp(deltas[:, 3])
    y1 = center_y - 0.5 * height
    x1 = center_x - 0.5 * width
    y2 = y1 + height
    x2 = x1 + width
    return jnp.stack([y1, x1, y2, x2], axis=1)


def _clip_boxes(boxes):
    return jnp.stack([
        jnp.clip(boxes[:, 0], 0.0, IMG_H),
        jnp.clip(boxes[:, 1], 0.0, IMG_W),
        jnp.clip(boxes[:, 2], 0.0, IMG_H),
        jnp.clip(boxes[:, 3], 0.0, IMG_W),
    ], axis=1)


def _iou_one_vs_all(box, boxes):
    yy1 = jnp.maximum(box[0], boxes[:, 0])
    xx1 = jnp.maximum(box[1], boxes[:, 1])
    yy2 = jnp.minimum(box[2], boxes[:, 2])
    xx2 = jnp.minimum(box[3], boxes[:, 3])
    inter = jnp.maximum(yy2 - yy1, 0.0) * jnp.maximum(xx2 - xx1, 0.0)
    area_a = jnp.maximum(box[2] - box[0], 0.0) * jnp.maximum(box[3] - box[1], 0.0)
    area_b = jnp.maximum(boxes[:, 2] - boxes[:, 0], 0.0) * jnp.maximum(boxes[:, 3] - boxes[:, 1], 0.0)
    union = area_a + area_b - inter
    return inter / (union + 1e-9)


def _nms_indices(boxes, scores):
    # greedy NMS, fixed PROPOSAL_COUNT iterations; boxes/scores length PRE_NMS
    def body(i, state):
        keep, suppressed = state
        masked = jnp.where(suppressed, -jnp.inf, scores)
        idx = jnp.argmax(masked).astype(jnp.int32)
        keep = keep.at[i].set(idx)
        ious = _iou_one_vs_all(boxes[idx], boxes)
        suppressed = suppressed | (ious > NMS_THRESHOLD)
        suppressed = suppressed.at[idx].set(True)
        return (keep, suppressed)

    keep0 = jnp.zeros((PROPOSAL_COUNT,), dtype=jnp.int32)
    sup0 = jnp.zeros((boxes.shape[0],), dtype=bool)
    keep, _ = jax.lax.fori_loop(0, PROPOSAL_COUNT, body, (keep0, sup0))
    return keep


def reference(rpn_pred_probs, rpn_box_deltas, anchors):
    # fg score (softmax objectness: column 1)
    scores = rpn_pred_probs[:, 1]
    order = jnp.argsort(-scores)[:PRE_NMS]
    scores_s = scores[order]
    deltas_s = rpn_box_deltas[order]
    anchors_s = anchors[order]
    boxes = _clip_boxes(_apply_box_deltas(anchors_s, deltas_s))
    keep = _nms_indices(boxes, scores_s)
    boxes_k = boxes[keep]
    scores_k = scores_s[keep]
    norm = jnp.array([IMG_H, IMG_W, IMG_H, IMG_W], dtype=jnp.float32)
    normalized_boxes = boxes_k / norm
    return jnp.concatenate([normalized_boxes, scores_k[:, None]], axis=1)

if __name__ == "__main__":
    import jax
    _d = setup_inputs()
    print(jax.jit(kernel)(*tuple(_d.values())))

</pallas_src>

<mosaic_0001>
#map = affine_map<(d0, d1) -> (0)>
#map1 = affine_map<(d0, d1) -> (0, 0)>
module attributes {stable_mosaic.version = 14 : i64} {
  func.func @k(%arg0: i32, %arg1: i32, %arg2: memref<6144xi32, #tpu.memory_space<hbm>>, %arg3: memref<6144x128xf32, #tpu.memory_space<hbm>>, %arg4: memref<6144x128xf32, #tpu.memory_space<hbm>>, %arg5: memref<192xi32, #tpu.memory_space<vmem>>, %arg6: memref<192x128xf32, #tpu.memory_space<vmem>>, %arg7: memref<!tpu.dma_semaphore, #tpu.memory_space<semaphore_mem>>) attributes {dimension_semantics = [#tpu.dimension_semantics<core_parallel>, #tpu.dimension_semantics<subcore_parallel>], iteration_bounds = array<i64: 2, 16>, scalar_prefetch = 0 : i64, scratch_operands = 3 : i64, tpu.core_type = #tpu.core_type<sc_vector_subcore>, window_params = [{transform_indices = #map}, {transform_indices = #map1}, {transform_indices = #map1}]} {
    %mul3A = arith.constant 2 : i32
    %mul3A_0 = arith.muli %arg1, %mul3A : i32
    %add3A = arith.addi %mul3A_0, %arg0 : i32
    %mul3A_1 = arith.constant 192 : i32
    %mul3A_2 = arith.muli %add3A, %mul3A_1 : i32
    "tpu.region"() ({
      %run_scoped3A = tpu.sem_alloc : memref<!tpu.dma_semaphore, #tpu.memory_space<semaphore_mem>>
      %dma_start3A_7 = tpu.memref_slice %arg2[%mul3A_2] : memref<6144xi32, #tpu.memory_space<hbm>> -> memref<192xi32, #tpu.memory_space<hbm>>
      %dma_start3A_8 = tpu.memref_slice %arg2[%mul3A_2] : memref<6144xi32, #tpu.memory_space<hbm>> -> memref<192xi32, #tpu.memory_space<hbm>>
      tpu.enqueue_dma source(%dma_start3A_8 : memref<192xi32, #tpu.memory_space<hbm>>) target(%arg5 : memref<192xi32, #tpu.memory_space<vmem>>) target_semaphore(%run_scoped3A : memref<!tpu.dma_semaphore, #tpu.memory_space<semaphore_mem>>)
      %dma_wait3A_9 = tpu.memref_slice %arg2[%mul3A_2] : memref<6144xi32, #tpu.memory_space<hbm>> -> memref<192xi32, #tpu.memory_space<hbm>>
      %dma_wait3A_10 = tpu.memref_slice %arg2[%mul3A_2] : memref<6144xi32, #tpu.memory_space<hbm>> -> memref<192xi32, #tpu.memory_space<hbm>>
      tpu.wait_dma2 semaphore(%run_scoped3A : memref<!tpu.dma_semaphore, #tpu.memory_space<semaphore_mem>>) src(%dma_wait3A_10 : memref<192xi32, #tpu.memory_space<hbm>>) dst(%arg5 : memref<192xi32, #tpu.memory_space<vmem>>)
      tpu.yield
    }) : () -> ()
    "tpu.region"() ({
      %run_scoped3A = tpu.sem_alloc : memref<!tpu.dma_semaphore, #tpu.memory_space<semaphore_mem>>
      %dma_start3A_7 = arith.constant 0 : i32
      %dma_start3A_8 = tpu.memref_slice %arg3[%mul3A_2, %dma_start3A_7] : memref<6144x128xf32, #tpu.memory_space<hbm>> -> memref<192x128xf32, #tpu.memory_space<hbm>>
      %dma_start3A_9 = arith.constant 0 : i32
      %dma_start3A_10 = tpu.memref_slice %arg3[%mul3A_2, %dma_start3A_9] : memref<6144x128xf32, #tpu.memory_space<hbm>> -> memref<192x128xf32, #tpu.memory_space<hbm>>
      tpu.enqueue_dma source(%dma_start3A_10 : memref<192x128xf32, #tpu.memory_space<hbm>>) target(%arg6 : memref<192x128xf32, #tpu.memory_space<vmem>>) target_semaphore(%run_scoped3A : memref<!tpu.dma_semaphore, #tpu.memory_space<semaphore_mem>>)
      %dma_wait3A_11 = arith.constant 0 : i32
      %dma_wait3A_12 = tpu.memref_slice %arg3[%mul3A_2, %dma_wait3A_11] : memref<6144x128xf32, #tpu.memory_space<hbm>> -> memref<192x128xf32, #tpu.memory_space<hbm>>
      %dma_wait3A_13 = arith.constant 0 : i32
      %dma_wait3A_14 = tpu.memref_slice %arg3[%mul3A_2, %dma_wait3A_13] : memref<6144x128xf32, #tpu.memory_space<hbm>> -> memref<192x128xf32, #tpu.memory_space<hbm>>
      tpu.wait_dma2 semaphore(%run_scoped3A : memref<!tpu.dma_semaphore, #tpu.memory_space<semaphore_mem>>) src(%dma_wait3A_14 : memref<192x128xf32, #tpu.memory_space<hbm>>) dst(%arg6 : memref<192x128xf32, #tpu.memory_space<vmem>>)
      tpu.yield
    }) : () -> ()
    %dma_start3A = arith.constant 0 : i32
    %dma_start3A_3 = arith.constant 0 : i32
    %dma_start3A_4 = tpu.memref_slice %arg4[%dma_start3A, %dma_start3A_3] : memref<6144x128xf32, #tpu.memory_space<hbm>> -> memref<6144x128xf32, #tpu.memory_space<hbm>>
    tpu.enqueue_indirect_dma source(%arg6 : memref<192x128xf32, #tpu.memory_space<vmem>>) target(%dma_start3A_4 : memref<6144x128xf32, #tpu.memory_space<hbm>>) offsets(%arg5 : memref<192xi32, #tpu.memory_space<vmem>>) semaphore(%arg7 : memref<!tpu.dma_semaphore, #tpu.memory_space<semaphore_mem>>)
    %dma_wait3A = arith.constant 0 : i32
    %dma_wait3A_5 = arith.constant 0 : i32
    %dma_wait3A_6 = tpu.memref_slice %arg4[%dma_wait3A, %dma_wait3A_5] : memref<6144x128xf32, #tpu.memory_space<hbm>> -> memref<6144x128xf32, #tpu.memory_space<hbm>>
    tpu.wait_indirect_dma semaphore(%arg7 : memref<!tpu.dma_semaphore, #tpu.memory_space<semaphore_mem>>) src(%arg6 : memref<192x128xf32, #tpu.memory_space<vmem>>) dst(%dma_wait3A_6 : memref<6144x128xf32, #tpu.memory_space<hbm>>)
    return
  }
}

#map = affine_map<(d0, d1) -> (0)>
#map1 = affine_map<(d0, d1) -> (0, 0)>
module attributes {stable_mosaic.version = 14 : i64} {
  func.func @k(%arg0: i32, %arg1: i32, %arg2: memref<20480xi32, #tpu.memory_space<hbm>>, %arg3: memref<20480x128xf32, #tpu.memory_space<hbm>>, %arg4: memref<7168x128xf32, #tpu.memory_space<hbm>>, %arg5: memref<640xi32, #tpu.memory_space<vmem>>, %arg6: memref<640x128xf32, #tpu.memory_space<vmem>>, %arg7: memref<!tpu.dma_semaphore, #tpu.memory_space<semaphore_mem>>) attributes {dimension_semantics = [#tpu.dimension_semantics<core_parallel>, #tpu.dimension_semantics<subcore_parallel>], iteration_bounds = array<i64: 2, 16>, scalar_prefetch = 0 : i64, scratch_operands = 3 : i64, tpu.core_type = #tpu.core_type<sc_vector_subcore>, window_params = [{transform_indices = #map}, {transform_indices = #map1}, {transform_indices = #map1}]} {
    %mul3A = arith.constant 2 : i32
    %mul3A_0 = arith.muli %arg1, %mul3A : i32
    %add3A = arith.addi %mul3A_0, %arg0 : i32
    %mul3A_1 = arith.constant 640 : i32
    %mul3A_2 = arith.muli %add3A, %mul3A_1 : i32
    "tpu.region"() ({
      %run_scoped3A = tpu.sem_alloc : memref<!tpu.dma_semaphore, #tpu.memory_space<semaphore_mem>>
      %dma_start3A_7 = tpu.memref_slice %arg2[%mul3A_2] : memref<20480xi32, #tpu.memory_space<hbm>> -> memref<640xi32, #tpu.memory_space<hbm>>
      %dma_start3A_8 = tpu.memref_slice %arg2[%mul3A_2] : memref<20480xi32, #tpu.memory_space<hbm>> -> memref<640xi32, #tpu.memory_space<hbm>>
      tpu.enqueue_dma source(%dma_start3A_8 : memref<640xi32, #tpu.memory_space<hbm>>) target(%arg5 : memref<640xi32, #tpu.memory_space<vmem>>) target_semaphore(%run_scoped3A : memref<!tpu.dma_semaphore, #tpu.memory_space<semaphore_mem>>)
      %dma_wait3A_9 = tpu.memref_slice %arg2[%mul3A_2] : memref<20480xi32, #tpu.memory_space<hbm>> -> memref<640xi32, #tpu.memory_space<hbm>>
      %dma_wait3A_10 = tpu.memref_slice %arg2[%mul3A_2] : memref<20480xi32, #tpu.memory_space<hbm>> -> memref<640xi32, #tpu.memory_space<hbm>>
      tpu.wait_dma2 semaphore(%run_scoped3A : memref<!tpu.dma_semaphore, #tpu.memory_space<semaphore_mem>>) src(%dma_wait3A_10 : memref<640xi32, #tpu.memory_space<hbm>>) dst(%arg5 : memref<640xi32, #tpu.memory_space<vmem>>)
      tpu.yield
    }) : () -> ()
    "tpu.region"() ({
      %run_scoped3A = tpu.sem_alloc : memref<!tpu.dma_semaphore, #tpu.memory_space<semaphore_mem>>
      %dma_start3A_7 = arith.constant 0 : i32
      %dma_start3A_8 = tpu.memref_slice %arg3[%mul3A_2, %dma_start3A_7] : memref<20480x128xf32, #tpu.memory_space<hbm>> -> memref<640x128xf32, #tpu.memory_space<hbm>>
      %dma_start3A_9 = arith.constant 0 : i32
      %dma_start3A_10 = tpu.memref_slice %arg3[%mul3A_2, %dma_start3A_9] : memref<20480x128xf32, #tpu.memory_space<hbm>> -> memref<640x128xf32, #tpu.memory_space<hbm>>
      tpu.enqueue_dma source(%dma_start3A_10 : memref<640x128xf32, #tpu.memory_space<hbm>>) target(%arg6 : memref<640x128xf32, #tpu.memory_space<vmem>>) target_semaphore(%run_scoped3A : memref<!tpu.dma_semaphore, #tpu.memory_space<semaphore_mem>>)
      %dma_wait3A_11 = arith.constant 0 : i32
      %dma_wait3A_12 = tpu.memref_slice %arg3[%mul3A_2, %dma_wait3A_11] : memref<20480x128xf32, #tpu.memory_space<hbm>> -> memref<640x128xf32, #tpu.memory_space<hbm>>
      %dma_wait3A_13 = arith.constant 0 : i32
      %dma_wait3A_14 = tpu.memref_slice %arg3[%mul3A_2, %dma_wait3A_13] : memref<20480x128xf32, #tpu.memory_space<hbm>> -> memref<640x128xf32, #tpu.memory_space<hbm>>
      tpu.wait_dma2 semaphore(%run_scoped3A : memref<!tpu.dma_semaphore, #tpu.memory_space<semaphore_mem>>) src(%dma_wait3A_14 : memref<640x128xf32, #tpu.memory_space<hbm>>) dst(%arg6 : memref<640x128xf32, #tpu.memory_space<vmem>>)
      tpu.yield
    }) : () -> ()
    %dma_start3A = arith.constant 0 : i32
    %dma_start3A_3 = arith.constant 0 : i32
    %dma_start3A_4 = tpu.memref_slice %arg4[%dma_start3A, %dma_start3A_3] : memref<7168x128xf32, #tpu.memory_space<hbm>> -> memref<7168x128xf32, #tpu.memory_space<hbm>>
    tpu.enqueue_indirect_dma source(%arg6 : memref<640x128xf32, #tpu.memory_space<vmem>>) target(%dma_start3A_4 : memref<7168x128xf32, #tpu.memory_space<hbm>>) offsets(%arg5 : memref<640xi32, #tpu.memory_space<vmem>>) semaphore(%arg7 : memref<!tpu.dma_semaphore, #tpu.memory_space<semaphore_mem>>)
    %dma_wait3A = arith.constant 0 : i32
    %dma_wait3A_5 = arith.constant 0 : i32
    %dma_wait3A_6 = tpu.memref_slice %arg4[%dma_wait3A, %dma_wait3A_5] : memref<7168x128xf32, #tpu.memory_space<hbm>> -> memref<7168x128xf32, #tpu.memory_space<hbm>>
    tpu.wait_indirect_dma semaphore(%arg7 : memref<!tpu.dma_semaphore, #tpu.memory_space<semaphore_mem>>) src(%arg6 : memref<640x128xf32, #tpu.memory_space<vmem>>) dst(%dma_wait3A_6 : memref<7168x128xf32, #tpu.memory_space<hbm>>)
    return
  }
}

module attributes {stable_mosaic.version = 14 : i64} {
  func.func @_k1_select(%arg0: memref<160x128xf32, #tpu.memory_space<vmem>>, %arg1: memref<160x128xi32, #tpu.memory_space<vmem>>) attributes {dimension_semantics = [], scalar_prefetch = 0 : i64, scratch_operands = 0 : i64, tpu.core_type = #tpu.core_type<tc>} {
    %get3A = arith.constant 0 : index
    %get3A_0 = arith.constant 0 : index
    %get3A_1 = vector.load %arg0[%get3A, %get3A_0] : memref<160x128xf32, #tpu.memory_space<vmem>>, vector<160x128xf32>
    %bitcast_convert_type3A = tpu.bitcast %get3A_1 : vector<160x128xf32> -> vector<160x128xi32>
    %iota3A = tpu.iota {dimensions = array<i32: 0>} : vector<128x128xi32>
    %iota3A_2 = tpu.iota {dimensions = array<i32: 1>} : vector<128x128xi32>
    %le3A = arith.cmpi sle, %iota3A, %iota3A_2 : vector<128x128xi32>
    %jit3A = arith.constant 1.000000e+00 : f32
    %jit3A_3 = arith.constant 0.000000e+00 : f32
    %broadcast_in_dim3A = vector.broadcast %jit3A : f32 to vector<128x128xf32>
    %broadcast_in_dim3A_4 = vector.broadcast %jit3A_3 : f32 to vector<128x128xf32>
    %select_n3A = arith.select %le3A, %broadcast_in_dim3A, %broadcast_in_dim3A_4 : vector<128x128xi1>, vector<128x128xf32>
    %iota3A_5 = tpu.iota {dimensions = array<i32: 1>} : vector<160x160xi32>
    %iota3A_6 = tpu.iota {dimensions = array<i32: 0>} : vector<160x160xi32>
    %lt3A = arith.cmpi slt, %iota3A_5, %iota3A_6 : vector<160x160xi32>
    %jit3A_7 = arith.constant 1.000000e+00 : f32
    %jit3A_8 = arith.constant 0.000000e+00 : f32
    %broadcast_in_dim3A_9 = vector.broadcast %jit3A_7 : f32 to vector<160x160xf32>
    %broadcast_in_dim3A_10 = vector.broadcast %jit3A_8 : f32 to vector<160x160xf32>
    %select_n3A_11 = arith.select %lt3A, %broadcast_in_dim3A_9, %broadcast_in_dim3A_10 : vector<160x160xi1>, vector<160x160xf32>
    %scan3A = arith.constant 0 : i32
    %scan3A_12 = arith.constant 1065353216 : i32
    %scan3A_13 = arith.constant 0 : i32
    %scan3A_14 = arith.constant 30 : i32
    %scan3A_15 = arith.addi %scan3A_13, %scan3A_14 : i32
    %scan3A_16 = arith.constant 1 : i32
    %scan3A_17:2 = scf.for %scan3A_83 = %scan3A_13 to %scan3A_15 step %scan3A_16 iter_args(%scan3A_84 = %scan3A, %scan3A_85 = %scan3A_12) -> (i32, i32)  : i32 {
      %add3A_86 = arith.addi %scan3A_84, %scan3A_85 : i32
      %add3A_87 = arith.constant 1 : i32
      %add3A_88 = arith.addi %add3A_86, %add3A_87 : i32
      %shift_right_arithmetic3A = arith.constant 1 : i32
      %shift_right_arithmetic3A_89 = arith.shrsi %add3A_88, %shift_right_arithmetic3A : i32
      %ge3A = vector.broadcast %shift_right_arithmetic3A_89 : i32 to vector<160x128xi32>
      %ge3A_90 = arith.cmpi sge, %bitcast_convert_type3A, %ge3A : vector<160x128xi32>
      %jit3A_91 = arith.constant 1.000000e+00 : f32
      %jit3A_92 = arith.constant 0.000000e+00 : f32
      %broadcast_in_dim3A_93 = vector.broadcast %jit3A_91 : f32 to vector<160x128xf32>
      %broadcast_in_dim3A_94 = vector.broadcast %jit3A_92 : f32 to vector<160x128xf32>
      %select_n3A_95 = arith.select %ge3A_90, %broadcast_in_dim3A_93, %broadcast_in_dim3A_94 : vector<160x128xi1>, vector<160x128xf32>
      %reduce_sum3A_96 = vector.shape_cast %select_n3A_95 : vector<160x128xf32> to vector<1x160x128xf32>
      %reduce_sum3A_97 = arith.constant dense<0.000000e+00> : vector<1xf32>
      %reduce_sum3A_98 = vector.multi_reduction <add>, %reduce_sum3A_96, %reduce_sum3A_97 [1, 2] : vector<1x160x128xf32> to vector<1xf32>
      %reduce_sum3A_99 = vector.shape_cast %reduce_sum3A_98 : vector<1xf32> to vector<1x1x1xf32>
      %reduce_sum3A_100 = vector.extract %reduce_sum3A_99[0, 0, 0] : f32 from vector<1x1x1xf32>
      %ge3A_101 = arith.constant 6.000000e+03 : f32
      %ge3A_102 = arith.cmpf oge, %reduce_sum3A_100, %ge3A_101 : f32
      %select_n3A_103 = arith.select %ge3A_102, %shift_right_arithmetic3A_89, %scan3A_84 : i32
      %sub3A_104 = arith.constant 1 : i32
      %sub3A_105 = arith.subi %shift_right_arithmetic3A_89, %sub3A_104 : i32
      %select_n3A_106 = arith.select %ge3A_102, %scan3A_85, %sub3A_105 : i32
      scf.yield %select_n3A_103, %select_n3A_106 : i32, i32
    }
    %gt3A = vector.broadcast %scan3A_17#0 : i32 to vector<160x128xi32>
    %gt3A_18 = arith.cmpi sgt, %bitcast_convert_type3A, %gt3A : vector<160x128xi32>
    %jit3A_19 = arith.constant 1.000000e+00 : f32
    %jit3A_20 = arith.constant 0.000000e+00 : f32
    %broadcast_in_dim3A_21 = vector.broadcast %jit3A_19 : f32 to vector<160x128xf32>
    %broadcast_in_dim3A_22 = vector.broadcast %jit3A_20 : f32 to vector<160x128xf32>
    %select_n3A_23 = arith.select %gt3A_18, %broadcast_in_dim3A_21, %broadcast_in_dim3A_22 : vector<160x128xi1>, vector<160x128xf32>
    %reduce_sum3A = vector.shape_cast %select_n3A_23 : vector<160x128xf32> to vector<1x160x128xf32>
    %reduce_sum3A_24 = arith.constant dense<0.000000e+00> : vector<1xf32>
    %reduce_sum3A_25 = vector.multi_reduction <add>, %reduce_sum3A, %reduce_sum3A_24 [1, 2] : vector<1x160x128xf32> to vector<1xf32>
    %reduce_sum3A_26 = vector.shape_cast %reduce_sum3A_25 : vector<1xf32> to vector<1x1x1xf32>
    %reduce_sum3A_27 = vector.extract %reduce_sum3A_26[0, 0, 0] : f32 from vector<1x1x1xf32>
    %eq3A = vector.broadcast %scan3A_17#0 : i32 to vector<160x128xi32>
    %eq3A_28 = arith.cmpi eq, %bitcast_convert_type3A, %eq3A : vector<160x128xi32>
    %jit3A_29 = arith.constant 1.000000e+00 : f32
    %jit3A_30 = arith.constant 0.000000e+00 : f32
    %broadcast_in_dim3A_31 = vector.broadcast %jit3A_29 : f32 to vector<160x128xf32>
    %broadcast_in_dim3A_32 = vector.broadcast %jit3A_30 : f32 to vector<160x128xf32>
    %select_n3A_33 = arith.select %eq3A_28, %broadcast_in_dim3A_31, %broadcast_in_dim3A_32 : vector<160x128xi1>, vector<160x128xf32>
    %sub3A = arith.constant 6.000000e+03 : f32
    %sub3A_34 = arith.subf %sub3A, %reduce_sum3A_27 : f32
    %dot_general3A = arith.constant dense<0.000000e+00> : vector<160x128xf32>
    %dot_general3A_35 = tpu.matmul %select_n3A_33, %select_n3A, %dot_general3A {dimension_numbers = #tpu.dot_dimension_numbers<[1], [0], [0], [1], [0, 0, 1, 1], [], []>, transpose_lhs_hint = false} : vector<160x128xf32>, vector<128x128xf32>, vector<160x128xf32> -> vector<160x128xf32>
    %slice3A = vector.extract_strided_slice %dot_general3A_35 {offsets = [0, 127], sizes = [160, 1], strides = [1, 1]} : vector<160x128xf32> to vector<160x1xf32>
    %dot_general3A_36 = arith.constant dense<0.000000e+00> : vector<160x1xf32>
    %dot_general3A_37 = tpu.matmul %select_n3A_11, %slice3A, %dot_general3A_36 {dimension_numbers = #tpu.dot_dimension_numbers<[1], [0], [0], [1], [0, 0, 1, 1], [], []>, transpose_lhs_hint = false} : vector<160x160xf32>, vector<160x1xf32>, vector<160x1xf32> -> vector<160x1xf32>
    %add3A = vector.broadcast %dot_general3A_37 : vector<160x1xf32> to vector<160x128xf32>
    %add3A_38 = arith.addf %dot_general3A_35, %add3A : vector<160x128xf32>
    %sub3A_39 = arith.subf %add3A_38, %select_n3A_33 : vector<160x128xf32>
    %gt3A_40 = arith.constant 5.000000e-01 : f32
    %gt3A_41 = vector.broadcast %gt3A_40 : f32 to vector<160x128xf32>
    %gt3A_42 = arith.cmpf ogt, %select_n3A_33, %gt3A_41 : vector<160x128xf32>
    %lt3A_43 = vector.broadcast %sub3A_34 : f32 to vector<160x128xf32>
    %lt3A_44 = arith.cmpf olt, %sub3A_39, %lt3A_43 : vector<160x128xf32>
    %and3A = arith.andi %gt3A_42, %lt3A_44 : vector<160x128xi1>
    %or3A = arith.ori %gt3A_18, %and3A : vector<160x128xi1>
    %jit3A_45 = arith.constant 1.000000e+00 : f32
    %jit3A_46 = arith.constant 0.000000e+00 : f32
    %broadcast_in_dim3A_47 = vector.broadcast %jit3A_45 : f32 to vector<160x128xf32>
    %broadcast_in_dim3A_48 = vector.broadcast %jit3A_46 : f32 to vector<160x128xf32>
    %select_n3A_49 = arith.select %or3A, %broadcast_in_dim3A_47, %broadcast_in_dim3A_48 : vector<160x128xi1>, vector<160x128xf32>
    %dot_general3A_50 = arith.constant dense<0.000000e+00> : vector<160x128xf32>
    %dot_general3A_51 = tpu.matmul %select_n3A_49, %select_n3A, %dot_general3A_50 {dimension_numbers = #tpu.dot_dimension_numbers<[1], [0], [0], [1], [0, 0, 1, 1], [], []>, transpose_lhs_hint = false} : vector<160x128xf32>, vector<128x128xf32>, vector<160x128xf32> -> vector<160x128xf32>
    %slice3A_52 = vector.extract_strided_slice %dot_general3A_51 {offsets = [0, 127], sizes = [160, 1], strides = [1, 1]} : vector<160x128xf32> to vector<160x1xf32>
    %dot_general3A_53 = arith.constant dense<0.000000e+00> : vector<160x1xf32>
    %dot_general3A_54 = tpu.matmul %select_n3A_11, %slice3A_52, %dot_general3A_53 {dimension_numbers = #tpu.dot_dimension_numbers<[1], [0], [0], [1], [0, 0, 1, 1], [], []>, transpose_lhs_hint = false} : vector<160x160xf32>, vector<160x1xf32>, vector<160x1xf32> -> vector<160x1xf32>
    %add3A_55 = vector.broadcast %dot_general3A_54 : vector<160x1xf32> to vector<160x128xf32>
    %add3A_56 = arith.addf %dot_general3A_51, %add3A_55 : vector<160x128xf32>
    %sub3A_57 = arith.subf %add3A_56, %select_n3A_49 : vector<160x128xf32>
    %convert_element_type3A = arith.fptosi %sub3A_57 : vector<160x128xf32> to vector<160x128xi32>
    %iota3A_58 = tpu.iota {dimensions = array<i32: 0>} : vector<160x128xi32>
    %mul3A = arith.constant 128 : i32
    %mul3A_59 = vector.broadcast %mul3A : i32 to vector<160x128xi32>
    %mul3A_60 = arith.muli %mul3A_59, %iota3A_58 : vector<160x128xi32>
    %iota3A_61 = tpu.iota {dimensions = array<i32: 1>} : vector<160x128xi32>
    %add3A_62 = arith.addi %mul3A_60, %iota3A_61 : vector<160x128xi32>
    %sub3A_63 = arith.subi %add3A_62, %convert_element_type3A : vector<160x128xi32>
    %lt3A_64 = arith.constant 144 : i32
    %lt3A_65 = vector.broadcast %lt3A_64 : i32 to vector<160x128xi32>
    %lt3A_66 = arith.cmpi slt, %sub3A_63, %lt3A_65 : vector<160x128xi32>
    %add3A_67 = arith.constant 6000 : i32
    %add3A_68 = vector.broadcast %add3A_67 : i32 to vector<160x128xi32>
    %add3A_69 = arith.addi %add3A_68, %sub3A_63 : vector<160x128xi32>
    %and3A_70 = arith.constant 1023 : i32
    %and3A_71 = vector.broadcast %and3A_70 : i32 to vector<160x128xi32>
    %and3A_72 = arith.andi %sub3A_63, %and3A_71 : vector<160x128xi32>
    %add3A_73 = arith.constant 6144 : i32
    %add3A_74 = vector.broadcast %add3A_73 : i32 to vector<160x128xi32>
    %add3A_75 = arith.addi %add3A_74, %and3A_72 : vector<160x128xi32>
    %select_n3A_76 = arith.select %lt3A_66, %add3A_69, %add3A_75 : vector<160x128xi1>, vector<160x128xi32>
    %gt3A_77 = arith.constant 5.000000e-01 : f32
    %gt3A_78 = vector.broadcast %gt3A_77 : f32 to vector<160x128xf32>
    %gt3A_79 = arith.cmpf ogt, %select_n3A_49, %gt3A_78 : vector<160x128xf32>
    %select_n3A_80 = arith.select %gt3A_79, %convert_element_type3A, %select_n3A_76 : vector<160x128xi1>, vector<160x128xi32>
    %swap3A = arith.constant 0 : index
    %swap3A_81 = arith.constant 0 : index
    %swap3A_82 = vector.load %arg1[%swap3A, %swap3A_81] : memref<160x128xi32, #tpu.memory_space<vmem>>, vector<160x128xi32>
    tpu.vector_store %arg1[%swap3A, %swap3A_81], %select_n3A_80 {strides = array<i32>} : memref<160x128xi32, #tpu.memory_space<vmem>>, vector<160x128xi32>,
    return
  }
}

module attributes {stable_mosaic.version = 14 : i64} {
  func.func @_k2_decode_rank(%arg0: memref<6144x16xf32, #tpu.memory_space<vmem>>, %arg1: memref<6144x16xf32, #tpu.memory_space<vmem>>, %arg2: memref<6144x1xi32, #tpu.memory_space<vmem>>, %arg3: memref<1x6144xf32, #tpu.memory_space<vmem>>) attributes {dimension_semantics = [], scalar_prefetch = 0 : i64, scratch_operands = 1 : i64, tpu.core_type = #tpu.core_type<tc>} {
    %get3A = arith.constant 0 : index
    %get3A_0 = arith.constant 0 : index
    %get3A_1 = vector.load %arg0[%get3A, %get3A_0] : memref<6144x16xf32, #tpu.memory_space<vmem>>, vector<6144x16xf32>
    %slice3A = vector.extract_strided_slice %get3A_1 {offsets = [0, 0], sizes = [6144, 1], strides = [1, 1]} : vector<6144x16xf32> to vector<6144x1xf32>
    %slice3A_2 = vector.extract_strided_slice %get3A_1 {offsets = [0, 1], sizes = [6144, 1], strides = [1, 1]} : vector<6144x16xf32> to vector<6144x1xf32>
    %slice3A_3 = vector.extract_strided_slice %get3A_1 {offsets = [0, 2], sizes = [6144, 1], strides = [1, 1]} : vector<6144x16xf32> to vector<6144x1xf32>
    %slice3A_4 = vector.extract_strided_slice %get3A_1 {offsets = [0, 3], sizes = [6144, 1], strides = [1, 1]} : vector<6144x16xf32> to vector<6144x1xf32>
    %slice3A_5 = vector.extract_strided_slice %get3A_1 {offsets = [0, 4], sizes = [6144, 1], strides = [1, 1]} : vector<6144x16xf32> to vector<6144x1xf32>
    %slice3A_6 = vector.extract_strided_slice %get3A_1 {offsets = [0, 5], sizes = [6144, 1], strides = [1, 1]} : vector<6144x16xf32> to vector<6144x1xf32>
    %slice3A_7 = vector.extract_strided_slice %get3A_1 {offsets = [0, 6], sizes = [6144, 1], strides = [1, 1]} : vector<6144x16xf32> to vector<6144x1xf32>
    %slice3A_8 = vector.extract_strided_slice %get3A_1 {offsets = [0, 7], sizes = [6144, 1], strides = [1, 1]} : vector<6144x16xf32> to vector<6144x1xf32>
    %slice3A_9 = vector.extract_strided_slice %get3A_1 {offsets = [0, 8], sizes = [6144, 1], strides = [1, 1]} : vector<6144x16xf32> to vector<6144x1xf32>
    %sub3A = arith.subf %slice3A_7, %slice3A_5 : vector<6144x1xf32>
    %sub3A_10 = arith.subf %slice3A_8, %slice3A_6 : vector<6144x1xf32>
    %mul3A = arith.constant 5.000000e-01 : f32
    %mul3A_11 = vector.broadcast %mul3A : f32 to vector<6144x1xf32>
    %mul3A_12 = arith.mulf %mul3A_11, %sub3A : vector<6144x1xf32>
    %add3A = arith.addf %slice3A_5, %mul3A_12 : vector<6144x1xf32>
    %mul3A_13 = arith.constant 5.000000e-01 : f32
    %mul3A_14 = vector.broadcast %mul3A_13 : f32 to vector<6144x1xf32>
    %mul3A_15 = arith.mulf %mul3A_14, %sub3A_10 : vector<6144x1xf32>
    %add3A_16 = arith.addf %slice3A_6, %mul3A_15 : vector<6144x1xf32>
    %mul3A_17 = arith.mulf %slice3A, %sub3A : vector<6144x1xf32>
    %add3A_18 = arith.addf %add3A, %mul3A_17 : vector<6144x1xf32>
    %mul3A_19 = arith.mulf %slice3A_2, %sub3A_10 : vector<6144x1xf32>
    %add3A_20 = arith.addf %add3A_16, %mul3A_19 : vector<6144x1xf32>
    %exp3A = math.exp %slice3A_3 : vector<6144x1xf32>
    %mul3A_21 = arith.mulf %sub3A, %exp3A : vector<6144x1xf32>
    %exp3A_22 = math.exp %slice3A_4 : vector<6144x1xf32>
    %mul3A_23 = arith.mulf %sub3A_10, %exp3A_22 : vector<6144x1xf32>
    %mul3A_24 = arith.constant 5.000000e-01 : f32
    %mul3A_25 = vector.broadcast %mul3A_24 : f32 to vector<6144x1xf32>
    %mul3A_26 = arith.mulf %mul3A_25, %mul3A_21 : vector<6144x1xf32>
    %sub3A_27 = arith.subf %add3A_18, %mul3A_26 : vector<6144x1xf32>
    %mul3A_28 = arith.constant 5.000000e-01 : f32
    %mul3A_29 = vector.broadcast %mul3A_28 : f32 to vector<6144x1xf32>
    %mul3A_30 = arith.mulf %mul3A_29, %mul3A_23 : vector<6144x1xf32>
    %sub3A_31 = arith.subf %add3A_20, %mul3A_30 : vector<6144x1xf32>
    %add3A_32 = arith.addf %sub3A_27, %mul3A_21 : vector<6144x1xf32>
    %add3A_33 = arith.addf %sub3A_31, %mul3A_23 : vector<6144x1xf32>
    %jit3A = arith.constant 0.000000e+00 : f32
    %jit3A_34 = arith.constant 1.024000e+03 : f32
    %max3A = vector.broadcast %jit3A : f32 to vector<6144x1xf32>
    %max3A_35 = arith.maximumf %max3A, %sub3A_27 : vector<6144x1xf32>
    %min3A = vector.broadcast %jit3A_34 : f32 to vector<6144x1xf32>
    %min3A_36 = arith.minimumf %min3A, %max3A_35 : vector<6144x1xf32>
    %jit3A_37 = arith.constant 0.000000e+00 : f32
    %jit3A_38 = arith.constant 1.024000e+03 : f32
    %max3A_39 = vector.broadcast %jit3A_37 : f32 to vector<6144x1xf32>
    %max3A_40 = arith.maximumf %max3A_39, %sub3A_31 : vector<6144x1xf32>
    %min3A_41 = vector.broadcast %jit3A_38 : f32 to vector<6144x1xf32>
    %min3A_42 = arith.minimumf %min3A_41, %max3A_40 : vector<6144x1xf32>
    %jit3A_43 = arith.constant 0.000000e+00 : f32
    %jit3A_44 = arith.constant 1.024000e+03 : f32
    %max3A_45 = vector.broadcast %jit3A_43 : f32 to vector<6144x1xf32>
    %max3A_46 = arith.maximumf %max3A_45, %add3A_32 : vector<6144x1xf32>
    %min3A_47 = vector.broadcast %jit3A_44 : f32 to vector<6144x1xf32>
    %min3A_48 = arith.minimumf %min3A_47, %max3A_46 : vector<6144x1xf32>
    %jit3A_49 = arith.constant 0.000000e+00 : f32
    %jit3A_50 = arith.constant 1.024000e+03 : f32
    %max3A_51 = vector.broadcast %jit3A_49 : f32 to vector<6144x1xf32>
    %max3A_52 = arith.maximumf %max3A_51, %add3A_33 : vector<6144x1xf32>
    %min3A_53 = vector.broadcast %jit3A_50 : f32 to vector<6144x1xf32>
    %min3A_54 = arith.minimumf %min3A_53, %max3A_52 : vector<6144x1xf32>
    %sub3A_55 = arith.subf %min3A_48, %min3A_36 : vector<6144x1xf32>
    %max3A_56 = arith.constant 0.000000e+00 : f32
    %max3A_57 = vector.broadcast %max3A_56 : f32 to vector<6144x1xf32>
    %max3A_58 = arith.maximumf %sub3A_55, %max3A_57 : vector<6144x1xf32>
    %sub3A_59 = arith.subf %min3A_54, %min3A_42 : vector<6144x1xf32>
    %max3A_60 = arith.constant 0.000000e+00 : f32
    %max3A_61 = vector.broadcast %max3A_60 : f32 to vector<6144x1xf32>
    %max3A_62 = arith.maximumf %sub3A_59, %max3A_61 : vector<6144x1xf32>
    %mul3A_63 = arith.mulf %max3A_58, %max3A_62 : vector<6144x1xf32>
    %broadcast_in_dim3A = arith.constant 0.000000e+00 : f32
    %broadcast_in_dim3A_64 = vector.broadcast %broadcast_in_dim3A : f32 to vector<6144x1xf32>
    %concatenate3A = tpu.concatenate %min3A_36, %min3A_42, %min3A_48, %min3A_54, %mul3A_63, %slice3A_9, %broadcast_in_dim3A_64, %broadcast_in_dim3A_64, %broadcast_in_dim3A_64, %broadcast_in_dim3A_64, %broadcast_in_dim3A_64, %broadcast_in_dim3A_64, %broadcast_in_dim3A_64, %broadcast_in_dim3A_64, %broadcast_in_dim3A_64, %broadcast_in_dim3A_64 in 1 : vector<6144x1xf32>, vector<6144x1xf32>, vector<6144x1xf32>, vector<6144x1xf32>, vector<6144x1xf32>, vector<6144x1xf32>, vector<6144x1xf32>, vector<6144x1xf32>, vector<6144x1xf32>, vector<6144x1xf32>, vector<6144x1xf32>, vector<6144x1xf32>, vector<6144x1xf32>, vector<6144x1xf32>, vector<6144x1xf32>, vector<6144x1xf32> -> vector<6144x16xf32>
    %swap3A = arith.constant 0 : index
    %swap3A_65 = arith.constant 0 : index
    %swap3A_66 = vector.load %arg1[%swap3A, %swap3A_65] : memref<6144x16xf32, #tpu.memory_space<vmem>>, vector<6144x16xf32>
    tpu.vector_store %arg1[%swap3A, %swap3A_65], %concatenate3A {strides = array<i32>} : memref<6144x16xf32, #tpu.memory_space<vmem>>, vector<6144x16xf32>,
    %iota3A = tpu.iota {dimensions = array<i32: 0>} : vector<256x256xi32>
    %iota3A_67 = tpu.iota {dimensions = array<i32: 1>} : vector<256x256xi32>
    %eq3A = arith.cmpi eq, %iota3A, %iota3A_67 : vector<256x256xi32>
    %jit3A_68 = arith.constant 1.000000e+00 : f32
    %jit3A_69 = arith.constant 0.000000e+00 : f32
    %broadcast_in_dim3A_70 = vector.broadcast %jit3A_68 : f32 to vector<256x256xf32>
    %broadcast_in_dim3A_71 = vector.broadcast %jit3A_69 : f32 to vector<256x256xf32>
    %select_n3A = arith.select %eq3A, %broadcast_in_dim3A_70, %broadcast_in_dim3A_71 : vector<256x256xi1>, vector<256x256xf32>
    %scan3A = arith.constant 0 : i32
    %scan3A_72 = arith.constant 24 : i32
    %scan3A_73 = arith.addi %scan3A, %scan3A_72 : i32
    %scan3A_74 = arith.constant 1 : i32
    scf.for %scan3A_81 = %scan3A to %scan3A_73 step %scan3A_74  : i32 {
      %mul3A_82 = arith.constant 256 : i32
      %mul3A_83 = arith.muli %scan3A_81, %mul3A_82 : i32
      %get3A_84 = arith.index_cast %mul3A_83 : i32 to index
      %get3A_85 = arith.constant 5 : index
      %get3A_86 = vector.load %arg1[%get3A_84, %get3A_85] : memref<6144x16xf32, #tpu.memory_space<vmem>>, vector<256x1xf32>
      %dot_general3A = arith.constant dense<0.000000e+00> : vector<1x256xf32>
      %dot_general3A_87 = tpu.matmul %get3A_86, %select_n3A, %dot_general3A {dimension_numbers = #tpu.dot_dimension_numbers<[0], [0], [1], [1], [0, 1, 1, 1], [], []>, precision = #tpu.contract_precision<fp32>, transpose_lhs_hint = false} : vector<256x1xf32>, vector<256x256xf32>, vector<1x256xf32> -> vector<1x256xf32>
      %mul3A_88 = arith.constant 256 : i32
      %mul3A_89 = arith.muli %scan3A_81, %mul3A_88 : i32
      %swap3A_90 = arith.constant 0 : index
      %swap3A_91 = arith.index_cast %mul3A_89 : i32 to index
      %swap3A_92 = vector.load %arg3[%swap3A_90, %swap3A_91] : memref<1x6144xf32, #tpu.memory_space<vmem>>, vector<1x256xf32>
      tpu.vector_store %arg3[%swap3A_90, %swap3A_91], %dot_general3A_87 {strides = array<i32>} : memref<1x6144xf32, #tpu.memory_space<vmem>>, vector<1x256xf32>,
    }
    %scan3A_75 = arith.constant 24 : i32
    %scan3A_76 = arith.constant 0 : i32
    %scan3A_77 = arith.constant 24 : i32
    %scan3A_78 = arith.addi %scan3A_76, %scan3A_77 : i32
    %scan3A_79 = arith.constant 1 : i32
    scf.for %scan3A_81 = %scan3A_76 to %scan3A_78 step %scan3A_79  : i32 {
      %mul3A_82 = arith.constant 256 : i32
      %mul3A_83 = arith.muli %scan3A_81, %mul3A_82 : i32
      %get3A_84 = arith.index_cast %mul3A_83 : i32 to index
      %get3A_85 = arith.constant 5 : index
      %get3A_86 = vector.load %arg1[%get3A_84, %get3A_85] : memref<6144x16xf32, #tpu.memory_space<vmem>>, vector<256x1xf32>
      %mul3A_87 = arith.constant 256 : i32
      %mul3A_88 = arith.muli %scan3A_81, %mul3A_87 : i32
      %iota3A_89 = tpu.iota {dimensions = array<i32: 0>} : vector<256x1xi32>
      %add3A_90 = vector.broadcast %mul3A_88 : i32 to vector<256x1xi32>
      %add3A_91 = arith.addi %add3A_90, %iota3A_89 : vector<256x1xi32>
      %broadcast_in_dim3A_92 = arith.constant 0.000000e+00 : f32
      %broadcast_in_dim3A_93 = vector.broadcast %broadcast_in_dim3A_92 : f32 to vector<256x1xf32>
      %scan3A_94 = arith.constant 0 : i32
      %scan3A_95 = arith.constant 6 : i32
      %scan3A_96 = arith.addi %scan3A_94, %scan3A_95 : i32
      %scan3A_97 = arith.constant 1 : i32
      %scan3A_98 = scf.for %scan3A_105 = %scan3A_94 to %scan3A_96 step %scan3A_97 iter_args(%scan3A_106 = %broadcast_in_dim3A_93) -> (vector<256x1xf32>)  : i32 {
        %mul3A_107 = arith.constant 1024 : i32
        %mul3A_108 = arith.muli %scan3A_105, %mul3A_107 : i32
        %get3A_109 = arith.constant 0 : index
        %get3A_110 = arith.index_cast %mul3A_108 : i32 to index
        %get3A_111 = vector.load %arg3[%get3A_109, %get3A_110] : memref<1x6144xf32, #tpu.memory_space<vmem>>, vector<1x1024xf32>
        %mul3A_112 = arith.constant 1024 : i32
        %mul3A_113 = arith.muli %scan3A_105, %mul3A_112 : i32
        %iota3A_114 = tpu.iota {dimensions = array<i32: 1>} : vector<1x1024xi32>
        %add3A_115 = vector.broadcast %mul3A_113 : i32 to vector<1x1024xi32>
        %add3A_116 = arith.addi %add3A_115, %iota3A_114 : vector<1x1024xi32>
        %gt3A = vector.broadcast %get3A_111 : vector<1x1024xf32> to vector<256x1024xf32>
        %gt3A_117 = vector.broadcast %get3A_86 : vector<256x1xf32> to vector<256x1024xf32>
        %gt3A_118 = arith.cmpf ogt, %gt3A, %gt3A_117 : vector<256x1024xf32>
        %eq3A_119 = vector.broadcast %get3A_111 : vector<1x1024xf32> to vector<256x1024xf32>
        %eq3A_120 = vector.broadcast %get3A_86 : vector<256x1xf32> to vector<256x1024xf32>
        %eq3A_121 = arith.cmpf oeq, %eq3A_119, %eq3A_120 : vector<256x1024xf32>
        %lt3A = vector.broadcast %add3A_116 : vector<1x1024xi32> to vector<256x1024xi32>
        %lt3A_122 = vector.broadcast %add3A_91 : vector<256x1xi32> to vector<256x1024xi32>
        %lt3A_123 = arith.cmpi slt, %lt3A, %lt3A_122 : vector<256x1024xi32>
        %and3A = arith.andi %eq3A_121, %lt3A_123 : vector<256x1024xi1>
        %or3A = arith.ori %gt3A_118, %and3A : vector<256x1024xi1>
        %jit3A_124 = arith.constant 1.000000e+00 : f32
        %jit3A_125 = arith.constant 0.000000e+00 : f32
        %broadcast_in_dim3A_126 = vector.broadcast %jit3A_124 : f32 to vector<256x1024xf32>
        %broadcast_in_dim3A_127 = vector.broadcast %jit3A_125 : f32 to vector<256x1024xf32>
        %select_n3A_128 = arith.select %or3A, %broadcast_in_dim3A_126, %broadcast_in_dim3A_127 : vector<256x1024xi1>, vector<256x1024xf32>
        %reduce_sum3A = arith.constant dense<0.000000e+00> : vector<256xf32>
        %reduce_sum3A_129 = vector.multi_reduction <add>, %select_n3A_128, %reduce_sum3A [1] : vector<256x1024xf32> to vector<256xf32>
        %broadcast_in_dim3A_130 = vector.shape_cast %reduce_sum3A_129 : vector<256xf32> to vector<256x1xf32>
        %add3A_131 = arith.addf %scan3A_106, %broadcast_in_dim3A_130 : vector<256x1xf32>
        scf.yield %add3A_131 : vector<256x1xf32>
      }
      %scan3A_99 = arith.constant 6 : i32
      %convert_element_type3A = arith.fptosi %scan3A_98 : vector<256x1xf32> to vector<256x1xi32>
      %mul3A_100 = arith.constant 256 : i32
      %mul3A_101 = arith.muli %scan3A_81, %mul3A_100 : i32
      %swap3A_102 = arith.index_cast %mul3A_101 : i32 to index
      %swap3A_103 = arith.constant 0 : index
      %swap3A_104 = vector.load %arg2[%swap3A_102, %swap3A_103] : memref<6144x1xi32, #tpu.memory_space<vmem>>, vector<256x1xi32>
      tpu.vector_store %arg2[%swap3A_102, %swap3A_103], %convert_element_type3A {strides = array<i32>} : memref<6144x1xi32, #tpu.memory_space<vmem>>, vector<256x1xi32>,
    }
    %scan3A_80 = arith.constant 24 : i32
    return
  }
}

module attributes {stable_mosaic.version = 14 : i64} {
  func.func @_k3_nms_assemble(%arg0: memref<6144x16xf32, #tpu.memory_space<vmem>>, %arg1: memref<16x6144xf32, #tpu.memory_space<vmem>>, %arg2: memref<1024x16xf32, #tpu.memory_space<vmem>>, %arg3: memref<1x6144xf32, #tpu.memory_space<vmem>>, %arg4: memref<1x6144xf32, #tpu.memory_space<vmem>>) attributes {dimension_semantics = [], scalar_prefetch = 0 : i64, scratch_operands = 2 : i64, tpu.core_type = #tpu.core_type<tc>} {
    %iota3A = tpu.iota {dimensions = array<i32: 0>} : vector<256x256xi32>
    %iota3A_0 = tpu.iota {dimensions = array<i32: 1>} : vector<256x256xi32>
    %eq3A = arith.cmpi eq, %iota3A, %iota3A_0 : vector<256x256xi32>
    %jit3A = arith.constant 1.000000e+00 : f32
    %jit3A_1 = arith.constant 0.000000e+00 : f32
    %broadcast_in_dim3A = vector.broadcast %jit3A : f32 to vector<256x256xf32>
    %broadcast_in_dim3A_2 = vector.broadcast %jit3A_1 : f32 to vector<256x256xf32>
    %select_n3A = arith.select %eq3A, %broadcast_in_dim3A, %broadcast_in_dim3A_2 : vector<256x256xi1>, vector<256x256xf32>
    %iota3A_3 = tpu.iota {dimensions = array<i32: 0>} : vector<256x256xi32>
    %iota3A_4 = tpu.iota {dimensions = array<i32: 1>} : vector<256x256xi32>
    %lt3A = arith.cmpi slt, %iota3A_3, %iota3A_4 : vector<256x256xi32>
    %jit3A_5 = arith.constant 1.000000e+00 : f32
    %jit3A_6 = arith.constant 0.000000e+00 : f32
    %broadcast_in_dim3A_7 = vector.broadcast %jit3A_5 : f32 to vector<256x256xf32>
    %broadcast_in_dim3A_8 = vector.broadcast %jit3A_6 : f32 to vector<256x256xf32>
    %select_n3A_9 = arith.select %lt3A, %broadcast_in_dim3A_7, %broadcast_in_dim3A_8 : vector<256x256xi1>, vector<256x256xf32>
    %iota3A_10 = tpu.iota {dimensions = array<i32: 0>} : vector<256x256xi32>
    %iota3A_11 = tpu.iota {dimensions = array<i32: 1>} : vector<256x256xi32>
    %le3A = arith.cmpi sle, %iota3A_10, %iota3A_11 : vector<256x256xi32>
    %jit3A_12 = arith.constant 1.000000e+00 : f32
    %jit3A_13 = arith.constant 0.000000e+00 : f32
    %broadcast_in_dim3A_14 = vector.broadcast %jit3A_12 : f32 to vector<256x256xf32>
    %broadcast_in_dim3A_15 = vector.broadcast %jit3A_13 : f32 to vector<256x256xf32>
    %select_n3A_16 = arith.select %le3A, %broadcast_in_dim3A_14, %broadcast_in_dim3A_15 : vector<256x256xi1>, vector<256x256xf32>
    %broadcast_in_dim3A_17 = arith.constant 0.000000e+00 : f32
    %broadcast_in_dim3A_18 = vector.broadcast %broadcast_in_dim3A_17 : f32 to vector<1x6144xf32>
    %swap3A = arith.constant 0 : index
    %swap3A_19 = arith.constant 0 : index
    %swap3A_20 = vector.load %arg3[%swap3A, %swap3A_19] : memref<1x6144xf32, #tpu.memory_space<vmem>>, vector<1x6144xf32>
    tpu.vector_store %arg3[%swap3A, %swap3A_19], %broadcast_in_dim3A_18 {strides = array<i32>} : memref<1x6144xf32, #tpu.memory_space<vmem>>, vector<1x6144xf32>,
    %scan3A = arith.constant 0 : i32
    %scan3A_21 = arith.constant 24 : i32
    %scan3A_22 = arith.addi %scan3A, %scan3A_21 : i32
    %scan3A_23 = arith.constant 1 : i32
    scf.for %scan3A_81 = %scan3A to %scan3A_22 step %scan3A_23  : i32 {
      %mul3A_82 = arith.constant 256 : i32
      %mul3A_83 = arith.muli %scan3A_81, %mul3A_82 : i32
      %get3A_84 = arith.index_cast %mul3A_83 : i32 to index
      %get3A_85 = arith.constant 0 : index
      %get3A_86 = vector.load %arg0[%get3A_84, %get3A_85] : memref<6144x16xf32, #tpu.memory_space<vmem>>, vector<256x1xf32>
      %get3A_87 = arith.index_cast %mul3A_83 : i32 to index
      %get3A_88 = arith.constant 1 : index
      %get3A_89 = vector.load %arg0[%get3A_87, %get3A_88] : memref<6144x16xf32, #tpu.memory_space<vmem>>, vector<256x1xf32>
      %get3A_90 = arith.index_cast %mul3A_83 : i32 to index
      %get3A_91 = arith.constant 2 : index
      %get3A_92 = vector.load %arg0[%get3A_90, %get3A_91] : memref<6144x16xf32, #tpu.memory_space<vmem>>, vector<256x1xf32>
      %get3A_93 = arith.index_cast %mul3A_83 : i32 to index
      %get3A_94 = arith.constant 3 : index
      %get3A_95 = vector.load %arg0[%get3A_93, %get3A_94] : memref<6144x16xf32, #tpu.memory_space<vmem>>, vector<256x1xf32>
      %sub3A_96 = arith.subf %get3A_92, %get3A_86 : vector<256x1xf32>
      %max3A = arith.constant 0.000000e+00 : f32
      %max3A_97 = vector.broadcast %max3A : f32 to vector<256x1xf32>
      %max3A_98 = arith.maximumf %sub3A_96, %max3A_97 : vector<256x1xf32>
      %sub3A_99 = arith.subf %get3A_95, %get3A_89 : vector<256x1xf32>
      %max3A_100 = arith.constant 0.000000e+00 : f32
      %max3A_101 = vector.broadcast %max3A_100 : f32 to vector<256x1xf32>
      %max3A_102 = arith.maximumf %sub3A_99, %max3A_101 : vector<256x1xf32>
      %mul3A_103 = arith.mulf %max3A_98, %max3A_102 : vector<256x1xf32>
      %jit3A_104 = arith.constant 4 : i32
      %div3A = arith.divsi %scan3A_81, %jit3A_104 : i32
      %sign3A = arith.constant 0 : i32
      %sign3A_105 = arith.cmpi sgt, %scan3A_81, %sign3A : i32
      %sign3A_106 = arith.extui %sign3A_105 : i1 to i32
      %sign3A_107 = arith.constant 0 : i32
      %sign3A_108 = arith.cmpi slt, %scan3A_81, %sign3A_107 : i32
      %sign3A_109 = arith.extui %sign3A_108 : i1 to i32
      %sign3A_110 = arith.subi %sign3A_106, %sign3A_109 : i32
      %sign3A_111 = arith.constant 0 : i32
      %sign3A_112 = arith.cmpi sgt, %jit3A_104, %sign3A_111 : i32
      %sign3A_113 = arith.extui %sign3A_112 : i1 to i32
      %sign3A_114 = arith.constant 0 : i32
      %sign3A_115 = arith.cmpi slt, %jit3A_104, %sign3A_114 : i32
      %sign3A_116 = arith.extui %sign3A_115 : i1 to i32
      %sign3A_117 = arith.subi %sign3A_113, %sign3A_116 : i32
      %ne3A = arith.cmpi ne, %sign3A_110, %sign3A_117 : i32
      %rem3A = arith.remsi %scan3A_81, %jit3A_104 : i32
      %ne3A_118 = arith.constant 0 : i32
      %ne3A_119 = arith.cmpi ne, %rem3A, %ne3A_118 : i32
      %and3A_120 = arith.andi %ne3A, %ne3A_119 : i1
      %sub3A_121 = arith.constant 1 : i32
      %sub3A_122 = arith.subi %div3A, %sub3A_121 : i32
      %select_n3A_123 = arith.select %and3A_120, %sub3A_122, %div3A : i32
      %add3A = arith.constant 1 : i32
      %add3A_124 = arith.addi %select_n3A_123, %add3A : i32
      %broadcast_in_dim3A_125 = arith.constant 0.000000e+00 : f32
      %broadcast_in_dim3A_126 = vector.broadcast %broadcast_in_dim3A_125 : f32 to vector<256x1xf32>
      %while3A = arith.constant 0 : i32
      %while3A_127 = arith.subi %add3A_124, %while3A : i32
      %while3A_128 = arith.addi %while3A, %while3A_127 : i32
      %while3A_129 = arith.constant 1 : i32
      %while3A_130 = arith.divsi %while3A_127, %while3A_129 : i32
      %while3A_131 = arith.muli %while3A_130, %while3A_129 : i32
      %while3A_132 = arith.addi %while3A, %while3A_131 : i32
      %while3A_133 = arith.constant 1 : i32
      %while3A_134 = scf.for %while3A_209 = %while3A to %while3A_132 step %while3A_133 iter_args(%while3A_210 = %broadcast_in_dim3A_126) -> (vector<256x1xf32>)  : i32 {
        %mul3A_211 = arith.constant 1024 : i32
        %mul3A_212 = arith.muli %while3A_209, %mul3A_211 : i32
        %get3A_213 = arith.constant 0 : index
        %get3A_214 = arith.index_cast %mul3A_212 : i32 to index
        %get3A_215 = vector.load %arg1[%get3A_213, %get3A_214] : memref<16x6144xf32, #tpu.memory_space<vmem>>, vector<1x1024xf32>
        %get3A_216 = arith.constant 1 : index
        %get3A_217 = arith.index_cast %mul3A_212 : i32 to index
        %get3A_218 = vector.load %arg1[%get3A_216, %get3A_217] : memref<16x6144xf32, #tpu.memory_space<vmem>>, vector<1x1024xf32>
        %get3A_219 = arith.constant 2 : index
        %get3A_220 = arith.index_cast %mul3A_212 : i32 to index
        %get3A_221 = vector.load %arg1[%get3A_219, %get3A_220] : memref<16x6144xf32, #tpu.memory_space<vmem>>, vector<1x1024xf32>
        %get3A_222 = arith.constant 3 : index
        %get3A_223 = arith.index_cast %mul3A_212 : i32 to index
        %get3A_224 = vector.load %arg1[%get3A_222, %get3A_223] : memref<16x6144xf32, #tpu.memory_space<vmem>>, vector<1x1024xf32>
        %get3A_225 = arith.constant 4 : index
        %get3A_226 = arith.index_cast %mul3A_212 : i32 to index
        %get3A_227 = vector.load %arg1[%get3A_225, %get3A_226] : memref<16x6144xf32, #tpu.memory_space<vmem>>, vector<1x1024xf32>
        %get3A_228 = arith.constant 0 : index
        %get3A_229 = arith.index_cast %mul3A_212 : i32 to index
        %get3A_230 = vector.load %arg3[%get3A_228, %get3A_229] : memref<1x6144xf32, #tpu.memory_space<vmem>>, vector<1x1024xf32>
        %max3A_231 = vector.broadcast %get3A_86 : vector<256x1xf32> to vector<256x1024xf32>
        %max3A_232 = vector.broadcast %get3A_215 : vector<1x1024xf32> to vector<256x1024xf32>
        %max3A_233 = arith.maximumf %max3A_231, %max3A_232 : vector<256x1024xf32>
        %max3A_234 = vector.broadcast %get3A_89 : vector<256x1xf32> to vector<256x1024xf32>
        %max3A_235 = vector.broadcast %get3A_218 : vector<1x1024xf32> to vector<256x1024xf32>
        %max3A_236 = arith.maximumf %max3A_234, %max3A_235 : vector<256x1024xf32>
        %min3A_237 = vector.broadcast %get3A_92 : vector<256x1xf32> to vector<256x1024xf32>
        %min3A_238 = vector.broadcast %get3A_221 : vector<1x1024xf32> to vector<256x1024xf32>
        %min3A_239 = arith.minimumf %min3A_237, %min3A_238 : vector<256x1024xf32>
        %min3A_240 = vector.broadcast %get3A_95 : vector<256x1xf32> to vector<256x1024xf32>
        %min3A_241 = vector.broadcast %get3A_224 : vector<1x1024xf32> to vector<256x1024xf32>
        %min3A_242 = arith.minimumf %min3A_240, %min3A_241 : vector<256x1024xf32>
        %sub3A_243 = arith.subf %min3A_239, %max3A_233 : vector<256x1024xf32>
        %max3A_244 = arith.constant 0.000000e+00 : f32
        %max3A_245 = vector.broadcast %max3A_244 : f32 to vector<256x1024xf32>
        %max3A_246 = arith.maximumf %sub3A_243, %max3A_245 : vector<256x1024xf32>
        %sub3A_247 = arith.subf %min3A_242, %max3A_236 : vector<256x1024xf32>
        %max3A_248 = arith.constant 0.000000e+00 : f32
        %max3A_249 = vector.broadcast %max3A_248 : f32 to vector<256x1024xf32>
        %max3A_250 = arith.maximumf %sub3A_247, %max3A_249 : vector<256x1024xf32>
        %mul3A_251 = arith.mulf %max3A_246, %max3A_250 : vector<256x1024xf32>
        %add3A_252 = vector.broadcast %mul3A_103 : vector<256x1xf32> to vector<256x1024xf32>
        %add3A_253 = vector.broadcast %get3A_227 : vector<1x1024xf32> to vector<256x1024xf32>
        %add3A_254 = arith.addf %add3A_252, %add3A_253 : vector<256x1024xf32>
        %sub3A_255 = arith.subf %add3A_254, %mul3A_251 : vector<256x1024xf32>
        %add3A_256 = arith.constant 9.99999971E-10 : f32
        %add3A_257 = vector.broadcast %add3A_256 : f32 to vector<256x1024xf32>
        %add3A_258 = arith.addf %sub3A_255, %add3A_257 : vector<256x1024xf32>
        %div3A_259 = arith.divf %mul3A_251, %add3A_258 : vector<256x1024xf32>
        %gt3A_260 = arith.constant 0.699999988 : f32
        %gt3A_261 = vector.broadcast %gt3A_260 : f32 to vector<256x1024xf32>
        %gt3A_262 = arith.cmpf ogt, %div3A_259, %gt3A_261 : vector<256x1024xf32>
        %gt3A_263 = arith.constant 5.000000e-01 : f32
        %gt3A_264 = vector.broadcast %gt3A_263 : f32 to vector<1x1024xf32>
        %gt3A_265 = arith.cmpf ogt, %get3A_230, %gt3A_264 : vector<1x1024xf32>
        %and3A_266 = vector.broadcast %gt3A_265 : vector<1x1024xi1> to vector<256x1024xi1>
        %and3A_267 = arith.andi %gt3A_262, %and3A_266 : vector<256x1024xi1>
        %jit3A_268 = arith.constant 1.000000e+00 : f32
        %jit3A_269 = arith.constant 0.000000e+00 : f32
        %broadcast_in_dim3A_270 = vector.broadcast %jit3A_268 : f32 to vector<256x1024xf32>
        %broadcast_in_dim3A_271 = vector.broadcast %jit3A_269 : f32 to vector<256x1024xf32>
        %select_n3A_272 = arith.select %and3A_267, %broadcast_in_dim3A_270, %broadcast_in_dim3A_271 : vector<256x1024xi1>, vector<256x1024xf32>
        %reduce_max3A = arith.constant dense<0xFF800000> : vector<256xf32>
        %reduce_max3A_273 = vector.multi_reduction <maximumf>, %select_n3A_272, %reduce_max3A [1] : vector<256x1024xf32> to vector<256xf32>
        %broadcast_in_dim3A_274 = vector.shape_cast %reduce_max3A_273 : vector<256xf32> to vector<256x1xf32>
        %max3A_275 = arith.maximumf %while3A_210, %broadcast_in_dim3A_274 : vector<256x1xf32>
        scf.yield %max3A_275 : vector<256x1xf32>
      }
      %while3A_135 = arith.constant 1 : i32
      %while3A_136 = scf.for %while3A_209 = %while3A_132 to %while3A_128 step %while3A_135 iter_args(%while3A_210 = %while3A_134) -> (vector<256x1xf32>)  : i32 {
        %mul3A_211 = arith.constant 1024 : i32
        %mul3A_212 = arith.muli %while3A_209, %mul3A_211 : i32
        %get3A_213 = arith.constant 0 : index
        %get3A_214 = arith.index_cast %mul3A_212 : i32 to index
        %get3A_215 = vector.load %arg1[%get3A_213, %get3A_214] : memref<16x6144xf32, #tpu.memory_space<vmem>>, vector<1x1024xf32>
        %get3A_216 = arith.constant 1 : index
        %get3A_217 = arith.index_cast %mul3A_212 : i32 to index
        %get3A_218 = vector.load %arg1[%get3A_216, %get3A_217] : memref<16x6144xf32, #tpu.memory_space<vmem>>, vector<1x1024xf32>
        %get3A_219 = arith.constant 2 : index
        %get3A_220 = arith.index_cast %mul3A_212 : i32 to index
        %get3A_221 = vector.load %arg1[%get3A_219, %get3A_220] : memref<16x6144xf32, #tpu.memory_space<vmem>>, vector<1x1024xf32>
        %get3A_222 = arith.constant 3 : index
        %get3A_223 = arith.index_cast %mul3A_212 : i32 to index
        %get3A_224 = vector.load %arg1[%get3A_222, %get3A_223] : memref<16x6144xf32, #tpu.memory_space<vmem>>, vector<1x1024xf32>
        %get3A_225 = arith.constant 4 : index
        %get3A_226 = arith.index_cast %mul3A_212 : i32 to index
        %get3A_227 = vector.load %arg1[%get3A_225, %get3A_226] : memref<16x6144xf32, #tpu.memory_space<vmem>>, vector<1x1024xf32>
        %get3A_228 = arith.constant 0 : index
        %get3A_229 = arith.index_cast %mul3A_212 : i32 to index
        %get3A_230 = vector.load %arg3[%get3A_228, %get3A_229] : memref<1x6144xf32, #tpu.memory_space<vmem>>, vector<1x1024xf32>
        %max3A_231 = vector.broadcast %get3A_86 : vector<256x1xf32> to vector<256x1024xf32>
        %max3A_232 = vector.broadcast %get3A_215 : vector<1x1024xf32> to vector<256x1024xf32>
        %max3A_233 = arith.maximumf %max3A_231, %max3A_232 : vector<256x1024xf32>
        %max3A_234 = vector.broadcast %get3A_89 : vector<256x1xf32> to vector<256x1024xf32>
        %max3A_235 = vector.broadcast %get3A_218 : vector<1x1024xf32> to vector<256x1024xf32>
        %max3A_236 = arith.maximumf %max3A_234, %max3A_235 : vector<256x1024xf32>
        %min3A_237 = vector.broadcast %get3A_92 : vector<256x1xf32> to vector<256x1024xf32>
        %min3A_238 = vector.broadcast %get3A_221 : vector<1x1024xf32> to vector<256x1024xf32>
        %min3A_239 = arith.minimumf %min3A_237, %min3A_238 : vector<256x1024xf32>
        %min3A_240 = vector.broadcast %get3A_95 : vector<256x1xf32> to vector<256x1024xf32>
        %min3A_241 = vector.broadcast %get3A_224 : vector<1x1024xf32> to vector<256x1024xf32>
        %min3A_242 = arith.minimumf %min3A_240, %min3A_241 : vector<256x1024xf32>
        %sub3A_243 = arith.subf %min3A_239, %max3A_233 : vector<256x1024xf32>
        %max3A_244 = arith.constant 0.000000e+00 : f32
        %max3A_245 = vector.broadcast %max3A_244 : f32 to vector<256x1024xf32>
        %max3A_246 = arith.maximumf %sub3A_243, %max3A_245 : vector<256x1024xf32>
        %sub3A_247 = arith.subf %min3A_242, %max3A_236 : vector<256x1024xf32>
        %max3A_248 = arith.constant 0.000000e+00 : f32
        %max3A_249 = vector.broadcast %max3A_248 : f32 to vector<256x1024xf32>
        %max3A_250 = arith.maximumf %sub3A_247, %max3A_249 : vector<256x1024xf32>
        %mul3A_251 = arith.mulf %max3A_246, %max3A_250 : vector<256x1024xf32>
        %add3A_252 = vector.broadcast %mul3A_103 : vector<256x1xf32> to vector<256x1024xf32>
        %add3A_253 = vector.broadcast %get3A_227 : vector<1x1024xf32> to vector<256x1024xf32>
        %add3A_254 = arith.addf %add3A_252, %add3A_253 : vector<256x1024xf32>
        %sub3A_255 = arith.subf %add3A_254, %mul3A_251 : vector<256x1024xf32>
        %add3A_256 = arith.constant 9.99999971E-10 : f32
        %add3A_257 = vector.broadcast %add3A_256 : f32 to vector<256x1024xf32>
        %add3A_258 = arith.addf %sub3A_255, %add3A_257 : vector<256x1024xf32>
        %div3A_259 = arith.divf %mul3A_251, %add3A_258 : vector<256x1024xf32>
        %gt3A_260 = arith.constant 0.699999988 : f32
        %gt3A_261 = vector.broadcast %gt3A_260 : f32 to vector<256x1024xf32>
        %gt3A_262 = arith.cmpf ogt, %div3A_259, %gt3A_261 : vector<256x1024xf32>
        %gt3A_263 = arith.constant 5.000000e-01 : f32
        %gt3A_264 = vector.broadcast %gt3A_263 : f32 to vector<1x1024xf32>
        %gt3A_265 = arith.cmpf ogt, %get3A_230, %gt3A_264 : vector<1x1024xf32>
        %and3A_266 = vector.broadcast %gt3A_265 : vector<1x1024xi1> to vector<256x1024xi1>
        %and3A_267 = arith.andi %gt3A_262, %and3A_266 : vector<256x1024xi1>
        %jit3A_268 = arith.constant 1.000000e+00 : f32
        %jit3A_269 = arith.constant 0.000000e+00 : f32
        %broadcast_in_dim3A_270 = vector.broadcast %jit3A_268 : f32 to vector<256x1024xf32>
        %broadcast_in_dim3A_271 = vector.broadcast %jit3A_269 : f32 to vector<256x1024xf32>
        %select_n3A_272 = arith.select %and3A_267, %broadcast_in_dim3A_270, %broadcast_in_dim3A_271 : vector<256x1024xi1>, vector<256x1024xf32>
        %reduce_max3A = arith.constant dense<0xFF800000> : vector<256xf32>
        %reduce_max3A_273 = vector.multi_reduction <maximumf>, %select_n3A_272, %reduce_max3A [1] : vector<256x1024xf32> to vector<256xf32>
        %broadcast_in_dim3A_274 = vector.shape_cast %reduce_max3A_273 : vector<256xf32> to vector<256x1xf32>
        %max3A_275 = arith.maximumf %while3A_210, %broadcast_in_dim3A_274 : vector<256x1xf32>
        scf.yield %max3A_275 : vector<256x1xf32>
      }
      %get3A_137 = arith.constant 0 : index
      %get3A_138 = arith.index_cast %mul3A_83 : i32 to index
      %get3A_139 = vector.load %arg1[%get3A_137, %get3A_138] : memref<16x6144xf32, #tpu.memory_space<vmem>>, vector<1x256xf32>
      %get3A_140 = arith.constant 1 : index
      %get3A_141 = arith.index_cast %mul3A_83 : i32 to index
      %get3A_142 = vector.load %arg1[%get3A_140, %get3A_141] : memref<16x6144xf32, #tpu.memory_space<vmem>>, vector<1x256xf32>
      %get3A_143 = arith.constant 2 : index
      %get3A_144 = arith.index_cast %mul3A_83 : i32 to index
      %get3A_145 = vector.load %arg1[%get3A_143, %get3A_144] : memref<16x6144xf32, #tpu.memory_space<vmem>>, vector<1x256xf32>
      %get3A_146 = arith.constant 3 : index
      %get3A_147 = arith.index_cast %mul3A_83 : i32 to index
      %get3A_148 = vector.load %arg1[%get3A_146, %get3A_147] : memref<16x6144xf32, #tpu.memory_space<vmem>>, vector<1x256xf32>
      %get3A_149 = arith.constant 4 : index
      %get3A_150 = arith.index_cast %mul3A_83 : i32 to index
      %get3A_151 = vector.load %arg1[%get3A_149, %get3A_150] : memref<16x6144xf32, #tpu.memory_space<vmem>>, vector<1x256xf32>
      %max3A_152 = vector.broadcast %get3A_86 : vector<256x1xf32> to vector<256x256xf32>
      %max3A_153 = vector.broadcast %get3A_139 : vector<1x256xf32> to vector<256x256xf32>
      %max3A_154 = arith.maximumf %max3A_152, %max3A_153 : vector<256x256xf32>
      %max3A_155 = vector.broadcast %get3A_89 : vector<256x1xf32> to vector<256x256xf32>
      %max3A_156 = vector.broadcast %get3A_142 : vector<1x256xf32> to vector<256x256xf32>
      %max3A_157 = arith.maximumf %max3A_155, %max3A_156 : vector<256x256xf32>
      %min3A = vector.broadcast %get3A_92 : vector<256x1xf32> to vector<256x256xf32>
      %min3A_158 = vector.broadcast %get3A_145 : vector<1x256xf32> to vector<256x256xf32>
      %min3A_159 = arith.minimumf %min3A, %min3A_158 : vector<256x256xf32>
      %min3A_160 = vector.broadcast %get3A_95 : vector<256x1xf32> to vector<256x256xf32>
      %min3A_161 = vector.broadcast %get3A_148 : vector<1x256xf32> to vector<256x256xf32>
      %min3A_162 = arith.minimumf %min3A_160, %min3A_161 : vector<256x256xf32>
      %sub3A_163 = arith.subf %min3A_159, %max3A_154 : vector<256x256xf32>
      %max3A_164 = arith.constant 0.000000e+00 : f32
      %max3A_165 = vector.broadcast %max3A_164 : f32 to vector<256x256xf32>
      %max3A_166 = arith.maximumf %sub3A_163, %max3A_165 : vector<256x256xf32>
      %sub3A_167 = arith.subf %min3A_162, %max3A_157 : vector<256x256xf32>
      %max3A_168 = arith.constant 0.000000e+00 : f32
      %max3A_169 = vector.broadcast %max3A_168 : f32 to vector<256x256xf32>
      %max3A_170 = arith.maximumf %sub3A_167, %max3A_169 : vector<256x256xf32>
      %mul3A_171 = arith.mulf %max3A_166, %max3A_170 : vector<256x256xf32>
      %add3A_172 = vector.broadcast %mul3A_103 : vector<256x1xf32> to vector<256x256xf32>
      %add3A_173 = vector.broadcast %get3A_151 : vector<1x256xf32> to vector<256x256xf32>
      %add3A_174 = arith.addf %add3A_172, %add3A_173 : vector<256x256xf32>
      %sub3A_175 = arith.subf %add3A_174, %mul3A_171 : vector<256x256xf32>
      %add3A_176 = arith.constant 9.99999971E-10 : f32
      %add3A_177 = vector.broadcast %add3A_176 : f32 to vector<256x256xf32>
      %add3A_178 = arith.addf %sub3A_175, %add3A_177 : vector<256x256xf32>
      %div3A_179 = arith.divf %mul3A_171, %add3A_178 : vector<256x256xf32>
      %gt3A_180 = arith.constant 0.699999988 : f32
      %gt3A_181 = vector.broadcast %gt3A_180 : f32 to vector<256x256xf32>
      %gt3A_182 = arith.cmpf ogt, %div3A_179, %gt3A_181 : vector<256x256xf32>
      %jit3A_183 = arith.constant 1.000000e+00 : f32
      %jit3A_184 = arith.constant 0.000000e+00 : f32
      %broadcast_in_dim3A_185 = vector.broadcast %jit3A_183 : f32 to vector<256x256xf32>
      %broadcast_in_dim3A_186 = vector.broadcast %jit3A_184 : f32 to vector<256x256xf32>
      %select_n3A_187 = arith.select %gt3A_182, %broadcast_in_dim3A_185, %broadcast_in_dim3A_186 : vector<256x256xi1>, vector<256x256xf32>
      %mul3A_188 = arith.mulf %select_n3A_187, %select_n3A_9 : vector<256x256xf32>
      %iota3A_189 = tpu.iota {dimensions = array<i32: 1>} : vector<1x256xi32>
      %add3A_190 = vector.broadcast %mul3A_83 : i32 to vector<1x256xi32>
      %add3A_191 = arith.addi %add3A_190, %iota3A_189 : vector<1x256xi32>
      %ge3A_192 = arith.constant 6000 : i32
      %ge3A_193 = vector.broadcast %ge3A_192 : i32 to vector<1x256xi32>
      %ge3A_194 = arith.cmpi sge, %add3A_191, %ge3A_193 : vector<1x256xi32>
      %jit3A_195 = arith.constant 1.000000e+00 : f32
      %jit3A_196 = arith.constant 0.000000e+00 : f32
      %broadcast_in_dim3A_197 = vector.broadcast %jit3A_195 : f32 to vector<1x256xf32>
      %broadcast_in_dim3A_198 = vector.broadcast %jit3A_196 : f32 to vector<1x256xf32>
      %select_n3A_199 = arith.select %ge3A_194, %broadcast_in_dim3A_197, %broadcast_in_dim3A_198 : vector<1x256xi1>, vector<1x256xf32>
      %dot_general3A_200 = arith.constant dense<0.000000e+00> : vector<1x256xf32>
      %dot_general3A_201 = tpu.matmul %while3A_136, %select_n3A, %dot_general3A_200 {dimension_numbers = #tpu.dot_dimension_numbers<[0], [0], [1], [1], [0, 1, 1, 1], [], []>, transpose_lhs_hint = false} : vector<256x1xf32>, vector<256x256xf32>, vector<1x256xf32> -> vector<1x256xf32>
      %max3A_202 = arith.maximumf %dot_general3A_201, %select_n3A_199 : vector<1x256xf32>
      %broadcast_in_dim3A_203 = arith.constant 0.000000e+00 : f32
      %broadcast_in_dim3A_204 = vector.broadcast %broadcast_in_dim3A_203 : f32 to vector<1x256xf32>
      %while3A_205:2 = scf.while (%while3A_209 = %max3A_202, %while3A_210 = %broadcast_in_dim3A_204) : (vector<1x256xf32>, vector<1x256xf32>) -> (vector<1x256xf32>, vector<1x256xf32>) {
        %sub3A_211 = arith.constant 1.000000e+00 : f32
        %sub3A_212 = vector.broadcast %sub3A_211 : f32 to vector<1x256xf32>
        %sub3A_213 = arith.subf %sub3A_212, %while3A_209 : vector<1x256xf32>
        %sub3A_214 = arith.constant 1.000000e+00 : f32
        %sub3A_215 = vector.broadcast %sub3A_214 : f32 to vector<1x256xf32>
        %sub3A_216 = arith.subf %sub3A_215, %while3A_210 : vector<1x256xf32>
        %mul3A_217 = arith.mulf %sub3A_213, %sub3A_216 : vector<1x256xf32>
        %reduce_sum3A = vector.shape_cast %mul3A_217 : vector<1x256xf32> to vector<1x1x256xf32>
        %reduce_sum3A_218 = arith.constant dense<0.000000e+00> : vector<1xf32>
        %reduce_sum3A_219 = vector.multi_reduction <add>, %reduce_sum3A, %reduce_sum3A_218 [1, 2] : vector<1x1x256xf32> to vector<1xf32>
        %reduce_sum3A_220 = vector.shape_cast %reduce_sum3A_219 : vector<1xf32> to vector<1x1x1xf32>
        %reduce_sum3A_221 = vector.extract %reduce_sum3A_220[0, 0, 0] : f32 from vector<1x1x1xf32>
        %gt3A_222 = arith.constant 5.000000e-01 : f32
        %gt3A_223 = arith.cmpf ogt, %reduce_sum3A_221, %gt3A_222 : f32
        scf.condition(%gt3A_223) %while3A_209, %while3A_210 : vector<1x256xf32>, vector<1x256xf32>
      } do {
      ^bb0(%while3A_209: vector<1x256xf32>, %while3A_210: vector<1x256xf32>):
        %sub3A_211 = arith.constant 1.000000e+00 : f32
        %sub3A_212 = vector.broadcast %sub3A_211 : f32 to vector<1x256xf32>
        %sub3A_213 = arith.subf %sub3A_212, %while3A_209 : vector<1x256xf32>
        %sub3A_214 = arith.constant 1.000000e+00 : f32
        %sub3A_215 = vector.broadcast %sub3A_214 : f32 to vector<1x256xf32>
        %sub3A_216 = arith.subf %sub3A_215, %while3A_210 : vector<1x256xf32>
        %mul3A_217 = arith.mulf %sub3A_213, %sub3A_216 : vector<1x256xf32>
        %dot_general3A_218 = arith.constant dense<0.000000e+00> : vector<256x1xf32>
        %dot_general3A_219 = tpu.matmul %select_n3A, %mul3A_217, %dot_general3A_218 {dimension_numbers = #tpu.dot_dimension_numbers<[1], [1], [0], [0], [0, 0, 1, 0], [], []>, transpose_lhs_hint = false} : vector<256x256xf32>, vector<1x256xf32>, vector<256x1xf32> -> vector<256x1xf32>
        %mul3A_220 = vector.broadcast %dot_general3A_219 : vector<256x1xf32> to vector<256x256xf32>
        %mul3A_221 = arith.mulf %mul3A_188, %mul3A_220 : vector<256x256xf32>
        %reduce_max3A = arith.constant dense<0xFF800000> : vector<256xf32>
        %reduce_max3A_222 = vector.multi_reduction <maximumf>, %mul3A_221, %reduce_max3A [0] : vector<256x256xf32> to vector<256xf32>
        %broadcast_in_dim3A_223 = vector.shape_cast %reduce_max3A_222 : vector<256xf32> to vector<1x256xf32>
        %sub3A_224 = arith.constant 1.000000e+00 : f32
        %sub3A_225 = vector.broadcast %sub3A_224 : f32 to vector<1x256xf32>
        %sub3A_226 = arith.subf %sub3A_225, %broadcast_in_dim3A_223 : vector<1x256xf32>
        %mul3A_227 = arith.mulf %mul3A_217, %sub3A_226 : vector<1x256xf32>
        %max3A_228 = arith.maximumf %while3A_210, %mul3A_227 : vector<1x256xf32>
        %dot_general3A_229 = arith.constant dense<0.000000e+00> : vector<256x1xf32>
        %dot_general3A_230 = tpu.matmul %select_n3A, %max3A_228, %dot_general3A_229 {dimension_numbers = #tpu.dot_dimension_numbers<[1], [1], [0], [0], [0, 0, 1, 0], [], []>, transpose_lhs_hint = false} : vector<256x256xf32>, vector<1x256xf32>, vector<256x1xf32> -> vector<256x1xf32>
        %mul3A_231 = vector.broadcast %dot_general3A_230 : vector<256x1xf32> to vector<256x256xf32>
        %mul3A_232 = arith.mulf %mul3A_188, %mul3A_231 : vector<256x256xf32>
        %reduce_max3A_233 = arith.constant dense<0xFF800000> : vector<256xf32>
        %reduce_max3A_234 = vector.multi_reduction <maximumf>, %mul3A_232, %reduce_max3A_233 [0] : vector<256x256xf32> to vector<256xf32>
        %broadcast_in_dim3A_235 = vector.shape_cast %reduce_max3A_234 : vector<256xf32> to vector<1x256xf32>
        %sub3A_236 = arith.constant 1.000000e+00 : f32
        %sub3A_237 = vector.broadcast %sub3A_236 : f32 to vector<1x256xf32>
        %sub3A_238 = arith.subf %sub3A_237, %max3A_228 : vector<1x256xf32>
        %mul3A_239 = arith.mulf %broadcast_in_dim3A_235, %sub3A_238 : vector<1x256xf32>
        %max3A_240 = arith.maximumf %while3A_209, %mul3A_239 : vector<1x256xf32>
        scf.yield %max3A_240, %max3A_228 : vector<1x256xf32>, vector<1x256xf32>
      }
      %swap3A_206 = arith.constant 0 : index
      %swap3A_207 = arith.index_cast %mul3A_83 : i32 to index
      %swap3A_208 = vector.load %arg3[%swap3A_206, %swap3A_207] : memref<1x6144xf32, #tpu.memory_space<vmem>>, vector<1x256xf32>
      tpu.vector_store %arg3[%swap3A_206, %swap3A_207], %while3A_205#1 {strides = array<i32>} : memref<1x6144xf32, #tpu.memory_space<vmem>>, vector<1x256xf32>,
    }
    %scan3A_24 = arith.constant 24 : i32
    %scan3A_25 = arith.constant 0.000000e+00 : f32
    %scan3A_26 = arith.constant 0 : i32
    %scan3A_27 = arith.constant 24 : i32
    %scan3A_28 = arith.addi %scan3A_26, %scan3A_27 : i32
    %scan3A_29 = arith.constant 1 : i32
    %scan3A_30 = scf.for %scan3A_81 = %scan3A_26 to %scan3A_28 step %scan3A_29 iter_args(%scan3A_82 = %scan3A_25) -> (f32)  : i32 {
      %mul3A_83 = arith.constant 256 : i32
      %mul3A_84 = arith.muli %scan3A_81, %mul3A_83 : i32
      %get3A_85 = arith.constant 0 : index
      %get3A_86 = arith.index_cast %mul3A_84 : i32 to index
      %get3A_87 = vector.load %arg3[%get3A_85, %get3A_86] : memref<1x6144xf32, #tpu.memory_space<vmem>>, vector<1x256xf32>
      %dot_general3A_88 = arith.constant dense<0.000000e+00> : vector<1x256xf32>
      %dot_general3A_89 = tpu.matmul %get3A_87, %select_n3A_16, %dot_general3A_88 {dimension_numbers = #tpu.dot_dimension_numbers<[1], [0], [0], [1], [0, 0, 1, 1], [], []>, transpose_lhs_hint = false} : vector<1x256xf32>, vector<256x256xf32>, vector<1x256xf32> -> vector<1x256xf32>
      %add3A = vector.broadcast %scan3A_82 : f32 to vector<1x256xf32>
      %add3A_90 = arith.addf %dot_general3A_89, %add3A : vector<1x256xf32>
      %mul3A_91 = arith.constant 256 : i32
      %mul3A_92 = arith.muli %scan3A_81, %mul3A_91 : i32
      %swap3A_93 = arith.constant 0 : index
      %swap3A_94 = arith.index_cast %mul3A_92 : i32 to index
      %swap3A_95 = vector.load %arg4[%swap3A_93, %swap3A_94] : memref<1x6144xf32, #tpu.memory_space<vmem>>, vector<1x256xf32>
      tpu.vector_store %arg4[%swap3A_93, %swap3A_94], %add3A_90 {strides = array<i32>} : memref<1x6144xf32, #tpu.memory_space<vmem>>, vector<1x256xf32>,
      %reduce_sum3A = vector.shape_cast %get3A_87 : vector<1x256xf32> to vector<1x1x256xf32>
      %reduce_sum3A_96 = arith.constant dense<0.000000e+00> : vector<1xf32>
      %reduce_sum3A_97 = vector.multi_reduction <add>, %reduce_sum3A, %reduce_sum3A_96 [1, 2] : vector<1x1x256xf32> to vector<1xf32>
      %reduce_sum3A_98 = vector.shape_cast %reduce_sum3A_97 : vector<1xf32> to vector<1x1x1xf32>
      %reduce_sum3A_99 = vector.extract %reduce_sum3A_98[0, 0, 0] : f32 from vector<1x1x1xf32>
      %add3A_100 = arith.addf %scan3A_82, %reduce_sum3A_99 : f32
      scf.yield %add3A_100 : f32
    }
    %scan3A_31 = arith.constant 24 : i32
    %get3A = arith.constant 0 : index
    %get3A_32 = arith.constant 0 : index
    %get3A_33 = vector.load %arg3[%get3A, %get3A_32] : memref<1x6144xf32, #tpu.memory_space<vmem>>, vector<1x6144xf32>
    %get3A_34 = arith.constant 0 : index
    %get3A_35 = arith.constant 0 : index
    %get3A_36 = vector.load %arg4[%get3A_34, %get3A_35] : memref<1x6144xf32, #tpu.memory_space<vmem>>, vector<1x6144xf32>
    %sub3A = arith.subf %get3A_36, %get3A_33 : vector<1x6144xf32>
    %iota3A_37 = tpu.iota {dimensions = array<i32: 0>} : vector<1024x1xi32>
    %convert_element_type3A = arith.sitofp %iota3A_37 : vector<1024x1xi32> to vector<1024x1xf32>
    %iota3A_38 = tpu.iota {dimensions = array<i32: 1>} : vector<1x6144xi32>
    %gt3A = arith.constant 5.000000e-01 : f32
    %gt3A_39 = vector.broadcast %gt3A : f32 to vector<1x6144xf32>
    %gt3A_40 = arith.cmpf ogt, %get3A_33, %gt3A_39 : vector<1x6144xf32>
    %eq3A_41 = vector.broadcast %sub3A : vector<1x6144xf32> to vector<1024x6144xf32>
    %eq3A_42 = vector.broadcast %convert_element_type3A : vector<1024x1xf32> to vector<1024x6144xf32>
    %eq3A_43 = arith.cmpf oeq, %eq3A_41, %eq3A_42 : vector<1024x6144xf32>
    %and3A = vector.broadcast %gt3A_40 : vector<1x6144xi1> to vector<1024x6144xi1>
    %and3A_44 = arith.andi %and3A, %eq3A_43 : vector<1024x6144xi1>
    %ge3A = vector.broadcast %scan3A_30 : f32 to vector<1024x1xf32>
    %ge3A_45 = arith.cmpf oge, %convert_element_type3A, %ge3A : vector<1024x1xf32>
    %eq3A_46 = arith.constant 0 : i32
    %eq3A_47 = vector.broadcast %eq3A_46 : i32 to vector<1x6144xi32>
    %eq3A_48 = arith.cmpi eq, %iota3A_38, %eq3A_47 : vector<1x6144xi32>
    %and3A_49 = vector.broadcast %ge3A_45 : vector<1024x1xi1> to vector<1024x6144xi1>
    %and3A_50 = vector.broadcast %eq3A_48 : vector<1x6144xi1> to vector<1024x6144xi1>
    %and3A_51 = arith.andi %and3A_49, %and3A_50 : vector<1024x6144xi1>
    %or3A = arith.ori %and3A_44, %and3A_51 : vector<1024x6144xi1>
    %jit3A_52 = arith.constant 1.000000e+00 : f32
    %jit3A_53 = arith.constant 0.000000e+00 : f32
    %broadcast_in_dim3A_54 = vector.broadcast %jit3A_52 : f32 to vector<1024x6144xf32>
    %broadcast_in_dim3A_55 = vector.broadcast %jit3A_53 : f32 to vector<1024x6144xf32>
    %select_n3A_56 = arith.select %or3A, %broadcast_in_dim3A_54, %broadcast_in_dim3A_55 : vector<1024x6144xi1>, vector<1024x6144xf32>
    %get3A_57 = arith.constant 0 : index
    %get3A_58 = arith.constant 0 : index
    %get3A_59 = vector.load %arg0[%get3A_57, %get3A_58] : memref<6144x16xf32, #tpu.memory_space<vmem>>, vector<6144x16xf32>
    %dot_general3A = arith.constant dense<0.000000e+00> : vector<1024x16xf32>
    %dot_general3A_60 = tpu.matmul %select_n3A_56, %get3A_59, %dot_general3A {dimension_numbers = #tpu.dot_dimension_numbers<[1], [0], [0], [1], [0, 0, 1, 1], [], []>, precision = #tpu.contract_precision<fp32>, transpose_lhs_hint = false} : vector<1024x6144xf32>, vector<6144x16xf32>, vector<1024x16xf32> -> vector<1024x16xf32>
    %broadcast_in_dim3A_61 = arith.constant 0.000000e+00 : f32
    %broadcast_in_dim3A_62 = vector.broadcast %broadcast_in_dim3A_61 : f32 to vector<1024x1xf32>
    %slice3A = vector.extract_strided_slice %dot_general3A_60 {offsets = [0, 0], sizes = [1024, 1], strides = [1, 1]} : vector<1024x16xf32> to vector<1024x1xf32>
    %mul3A = arith.constant 9.765625E-4 : f32
    %mul3A_63 = vector.broadcast %mul3A : f32 to vector<1024x1xf32>
    %mul3A_64 = arith.mulf %slice3A, %mul3A_63 : vector<1024x1xf32>
    %slice3A_65 = vector.extract_strided_slice %dot_general3A_60 {offsets = [0, 1], sizes = [1024, 1], strides = [1, 1]} : vector<1024x16xf32> to vector<1024x1xf32>
    %mul3A_66 = arith.constant 9.765625E-4 : f32
    %mul3A_67 = vector.broadcast %mul3A_66 : f32 to vector<1024x1xf32>
    %mul3A_68 = arith.mulf %slice3A_65, %mul3A_67 : vector<1024x1xf32>
    %slice3A_69 = vector.extract_strided_slice %dot_general3A_60 {offsets = [0, 2], sizes = [1024, 1], strides = [1, 1]} : vector<1024x16xf32> to vector<1024x1xf32>
    %mul3A_70 = arith.constant 9.765625E-4 : f32
    %mul3A_71 = vector.broadcast %mul3A_70 : f32 to vector<1024x1xf32>
    %mul3A_72 = arith.mulf %slice3A_69, %mul3A_71 : vector<1024x1xf32>
    %slice3A_73 = vector.extract_strided_slice %dot_general3A_60 {offsets = [0, 3], sizes = [1024, 1], strides = [1, 1]} : vector<1024x16xf32> to vector<1024x1xf32>
    %mul3A_74 = arith.constant 9.765625E-4 : f32
    %mul3A_75 = vector.broadcast %mul3A_74 : f32 to vector<1024x1xf32>
    %mul3A_76 = arith.mulf %slice3A_73, %mul3A_75 : vector<1024x1xf32>
    %slice3A_77 = vector.extract_strided_slice %dot_general3A_60 {offsets = [0, 5], sizes = [1024, 1], strides = [1, 1]} : vector<1024x16xf32> to vector<1024x1xf32>
    %concatenate3A = tpu.concatenate %mul3A_64, %mul3A_68, %mul3A_72, %mul3A_76, %slice3A_77, %broadcast_in_dim3A_62, %broadcast_in_dim3A_62, %broadcast_in_dim3A_62, %broadcast_in_dim3A_62, %broadcast_in_dim3A_62, %broadcast_in_dim3A_62, %broadcast_in_dim3A_62, %broadcast_in_dim3A_62, %broadcast_in_dim3A_62, %broadcast_in_dim3A_62, %broadcast_in_dim3A_62 in 1 : vector<1024x1xf32>, vector<1024x1xf32>, vector<1024x1xf32>, vector<1024x1xf32>, vector<1024x1xf32>, vector<1024x1xf32>, vector<1024x1xf32>, vector<1024x1xf32>, vector<1024x1xf32>, vector<1024x1xf32>, vector<1024x1xf32>, vector<1024x1xf32>, vector<1024x1xf32>, vector<1024x1xf32>, vector<1024x1xf32>, vector<1024x1xf32> -> vector<1024x16xf32>
    %swap3A_78 = arith.constant 0 : index
    %swap3A_79 = arith.constant 0 : index
    %swap3A_80 = vector.load %arg2[%swap3A_78, %swap3A_79] : memref<1024x16xf32, #tpu.memory_space<vmem>>, vector<1024x16xf32>
    tpu.vector_store %arg2[%swap3A_78, %swap3A_79], %concatenate3A {strides = array<i32>} : memref<1024x16xf32, #tpu.memory_space<vmem>>, vector<1024x16xf32>,
    return
  }
}

</mosaic_0001>

<sc_bundles>
// kernel: _pipeline.10.cloned.1.call-start
scs
__scs_entry_jumppad:
0x0: {  	(pc) =	sbr.rel $0x88, $3  }
0x1: {  	(tag) =	ssettag $0x0;
	lr =	simm.s32 $0x1  }
0x2: {  	[smem:$0x3F9E] =	sst lr;
	_ =	strace $0xD0000000  }
0x3: {  	_ = 	snop  }
0x4: {  	_ = 	snop  }
0x5: {  	_ = 	snop  }
0x6: {  	_ = 	snop  }
0x7: {  	_ = 	snop  }
__scs_overlays_trampoline_lowered:
0x8: {  	[smem:$0x3FAD] =	sst s0  }
0x9: {  	[smem:$0x3FAE] =	sst s1  }
0xa: {  	[smem:$0x3FAF] =	sst s2  }
0xb: {  	[smem:$0x3FB0] =	sst s3  }
0xc: {  	[smem:$0x3FB1] =	sst s4  }
0xd: {  	[smem:$0x3FB2] =	sst s5  }
0xe: {  	[smem:$0x3FB3] =	sst s6  }
0xf: {  	[smem:$0x3FB4] =	sst s7  }
0x10: {  	[smem:$0x3FB5] =	sst s8  }
0x11: {  	[smem:$0x3FB6] =	sst s9;
	s0 =	simm.s32 @!p0 $0x0  }
0x12: {  	s1 =	sld [smem:$0x3F9C];
	s0 =	simm.s32 @p0 $0x1  }
0x13: {  	[smem:$0x3FB7] =	sst s0;
	s0 =	simm.s32 @!p1 $0x0  }
0x14: {  	s2 =	sld [smem:$0x3F9B];
	s0 =	simm.s32 @p1 $0x1  }
0x15: {  	[smem:$0x3FB8] =	sst s0;
	s0 =	simm.s32 @!p2 $0x0  }
0x16: {  	s3 =	sld [smem:$0x3FDB];
	s0 =	simm.s32 @p2 $0x1  }
0x17: {  	s4 =	simm.s32 $0x1BF5;
	[smem:$0x3FBA] =	sst s0  }
0x18: {  	s0 =	sld [smem:$0x3F9D];
	_ =	swait.ge [sflag:s4], $0x0  }
0x19: {  	s7 =	sld [smem:$0x3F9E]  }
0x1a: {  	s8 =	sadd.s32 $0xFFFFE003, lr  }
0x1b: {  	s9 =	sadd.s32 $0xFFFFFEF7, lr;
	s5 =	simm.s32 $0xFFFFFFFF;
	p2 =	slt.u32 s8, $0xFFFFF086  }
0x1c: {  	p1 =	slt.u32 s9, $0xF7A;
	s5 =	simm.s32 @!p2 $0x0  }
0x1d: {  	s5 =	simm.s32 @p1 $0x1;
	p0 =	seq.s32 s7, s2  }
0x1e: {  	s7 =	smul.u32 @!p0 $0xF7A, s2;
	p2 =	seq.s32 @!p0 s5, $0x0  }
0x1f: {  	s9 =	smul.u32 $0xF7A, s1;
	s8 =	simm.s32 @!p0 $0x1BF5;
	p2 =	por !p2, p0  }
0x20: {  	[sflag:s8] =	ssyncset.s32 @!p0 $0xFFFFF086;
	s6 =	sadd.s32 @!p0 s3, s7;
	s7 =	simm.s32 @!p0 $0x108  }
0x21: {  	s3 =	sadd.s32 s3, s9;
	s6 =	sadd.s32 @!p0 $0x88, s6;
	s7 =	simm.s32 @p2 $0x1082  }
0x22: {  	[simem:s7], [sflag:s8] =	dma.local @!p0 [hbm:s6], $0xF7A  }
0x23: {  	s9 =	sor.u32 $0xD0000000, s2;
	s6 =	simm.s32 $0x108;
	_ =	swait.ge @!p0 [sflag:s8], $0x0  }
0x24: {  	s3 =	sadd.s32 $0x88, s3;
	s6 =	simm.s32 @!p1 $0x1082;
	[sflag:s4] =	ssyncset.s32 $0xFFFFF086  }
0x25: {  	[simem:s6], [sflag:s4] =	dma.local [hbm:s3], $0xF7A  }
0x26: {  	[smem:$0x3F9E] =	sst s1;
	(tag) =	ssettag s2;
	_ =	strace s9  }
0x27: {  	s1 =	sld [smem:$0x3FAE]  }
0x28: {  	s2 =	sld [smem:$0x3FAF]  }
0x29: {  	s4 =	sld [smem:$0x3FB1]  }
0x2a: {  	p0 =	seq.s32 s5, $0x0;
	s5 =	sld [smem:$0x3FB2]  }
0x2b: {  	s6 =	sld [smem:$0x3FB3]  }
0x2c: {  	s7 =	sld [smem:$0x3FB4]  }
0x2d: {  	s3 =	simm.s32 $0x108;
	s8 =	sld [smem:$0x3FB5]  }
0x2e: {  	s3 =	simm.s32 @!p0 $0x1082;
	s9 =	sld [smem:$0x3FB6]  }
0x2f: {  	lr =	sadd.s32 s0, s3;
	s0 =	sld [smem:$0x3FAD]  }
0x30: {  	s3 =	sld [smem:$0x3FB0]  }
0x31: {  	[smem:$0x3FB9] =	sst s10  }
0x32: {  	s10 =	sld [smem:$0x3FB7];
	_ =	sdelay $0x3  }
0x33: {  	p0 =	seq.s32 s10, $0x1;
	s10 =	sld [smem:$0x3FB9];
	_ =	sdelay $0x3  }
0x34: {  	[smem:$0x3FB9] =	sst s10  }
0x35: {  	s10 =	sld [smem:$0x3FB8];
	_ =	sdelay $0x3  }
0x36: {  	p1 =	seq.s32 s10, $0x1;
	s10 =	sld [smem:$0x3FB9];
	_ =	sdelay $0x3  }
0x37: {  	[smem:$0x3FB9] =	sst s10  }
0x38: {  	s10 =	sld [smem:$0x3FBA]  }
0x39: {  	_ = 	snop;
	(pc) =	sbr.ind lr, $3  }
0x3a: {  	_ = 	snop  }
0x3b: {  	_ = 	snop  }
0x3c: {  	p2 =	seq.s32 s10, $0x1;
	s10 =	sld [smem:$0x3FB9]  }
0x3d: {  	_ =	shalt  }
0x3e: {  	_ =	shalt  }
0x3f: {  	_ =	shalt  }
0x40: {  	_ =	shalt  }
0x41: {  	_ =	shalt  }
0x42: {  	_ =	shalt  }
0x43: {  	_ =	shalt  }
0x44: {  	_ =	shalt  }
0x45: {  	_ =	shalt  }
0x46: {  	_ =	shalt  }
0x47: {  	_ =	shalt  }
0x48: {  	_ =	shalt  }
0x49: {  	_ =	shalt  }
0x4a: {  	_ =	shalt  }
0x4b: {  	_ =	shalt  }
0x4c: {  	_ =	shalt  }
0x4d: {  	_ =	shalt  }
0x4e: {  	_ =	shalt  }
0x4f: {  	_ =	shalt  }
0x50: {  	_ =	shalt  }
0x51: {  	_ =	shalt  }
0x52: {  	_ =	shalt  }
0x53: {  	_ =	shalt  }
0x54: {  	_ =	shalt  }
0x55: {  	_ =	shalt  }
0x56: {  	_ =	shalt  }
0x57: {  	_ =	shalt  }
0x58: {  	_ =	shalt  }
0x59: {  	_ =	shalt  }
0x5a: {  	_ =	shalt  }
0x5b: {  	_ =	shalt  }
0x5c: {  	_ =	shalt  }
0x5d: {  	_ =	shalt  }
0x5e: {  	_ =	shalt  }
0x5f: {  	_ =	shalt  }
0x60: {  	_ =	shalt  }
0x61: {  	_ =	shalt  }
0x62: {  	_ =	shalt  }
0x63: {  	_ =	shalt  }
0x64: {  	_ =	shalt  }
0x65: {  	_ =	shalt  }
0x66: {  	_ =	shalt  }
0x67: {  	_ =	shalt  }
0x68: {  	_ =	shalt  }
0x69: {  	_ =	shalt  }
0x6a: {  	_ =	shalt  }
0x6b: {  	_ =	shalt  }
0x6c: {  	_ =	shalt  }
0x6d: {  	_ =	shalt  }
0x6e: {  	_ =	shalt  }
0x6f: {  	_ =	shalt  }
0x70: {  	_ =	shalt  }
0x71: {  	_ =	shalt  }
0x72: {  	_ =	shalt  }
0x73: {  	_ =	shalt  }
0x74: {  	_ =	shalt  }
0x75: {  	_ =	shalt  }
0x76: {  	_ =	shalt  }
0x77: {  	_ =	shalt  }
0x78: {  	_ =	shalt  }
0x79: {  	_ =	shalt  }
0x7a: {  	_ =	shalt  }
0x7b: {  	_ =	shalt  }
0x7c: {  	_ =	shalt  }
0x7d: {  	_ =	shalt  }
0x7e: {  	_ =	shalt  }
0x7f: {  	_ =	shalt  }
0x80: {  	_ =	shalt  }
0x81: {  	_ =	shalt  }
0x82: {  	_ =	shalt  }
0x83: {  	_ =	shalt  }
0x84: {  	_ =	shalt  }
0x85: {  	_ =	shalt  }
0x86: {  	_ =	shalt  }
0x87: {  	_ =	shalt  }
.Lfunc_end0:
.L_simem_size_0:
called_computation.1_lowered:
.L_overlay_start_0:
0x88: {  	s2 =	sld [smem:$0x3FD9]  }
0x89: {  	s3 =	sld [smem:$0x3FFE];
	_ =	sdelay $0x1  }
0x8a: {  	s1 =	srdreg.scid  }
0x8b: {  	s0 =	sand.u32 $0x1, s1  }
0x8c: {  	s17 =	sshll.u32 s0, $0xA;
	s2 =	sadd.s32 s3, s2  }
0x8d: {  	s2 =	sadd.s32 s2, s17  }
0x8e: {  	[smem:$0x3FC5] =	sst s2  }
0x8f: {  	_ = 	snop  }
0x90: {  	s2 =	sld [smem:$0x3FD0];
	(tm) =	ssettm $0x1  }
0x91: {  	s18 =	sld [smem:$0x3FFB];
	_ =	sdelay $0x3  }
0x92: {  	_ =	strace s18  }
0x93: {  	s3 =	sld [smem:$0x3FFC];
	_ =	sdelay $0x3  }
0x94: {  	_ =	strace s3  }
0x95: {  	s3 =	sld [smem:$0x3FFD];
	_ =	sdelay $0x3  }
0x96: {  	_ =	strace s3  }
0x97: {  	_ =	strace $0x8FFFFFFF  }
0x98: {  	s19 =	sld [smem:$0x3FDB];
	_ =	sdelay $0x1  }
0x99: {  	s4 =	simm.s32 $_scs_section_size  }
0x9a: {  	s5 =	simm.s32 $_size__tile_overlayer_lowered;
	s6 =	simm.s32 $_tile_overlayer_lowered  }
0x9b: {  	s22 =	simm.s32 $0x1BFF;
	s21 =	sshll.u32 s6, $0x1;
	s3 =	sadd.s32 s4, s19  }
0x9c: {  	s7 =	simm.s32 $0x0;
	s20 =	sshll.u32 s5, $0x1;
	s5 =	sadd.s32 s21, s3  }
0x9d: {  	[timem:s7], [sflag:s22] =	dma.local [hbm:s5], s20  }
0x9e: {  	_ =	swait.ge [sflag:s22], s20  }
0x9f: {  	s4 =	ssub.s32 $0x0, s20;
	[sflag:s22] =	ssyncset.done $0x0  }
0xa0: {  	[sflag:s22] =	ssyncadd.s32 s4;
	_ =	sdelay $0x1  }
0xa1: {  	s23 =	simm.s32 $0x1B8B  }
0xa2: {  	_ =	swait.ge [sflag:s23], $0x1  }
0xa3: {  	[sflag:s23] =	ssyncset.done $0x0  }
0xa4: {  	s25 =	simm.s32 $0x1B8E;
	s24 =	sld [smem:$0x3FFE];
	[sflag:s23] =	ssyncadd.s32 $0xFFFFFFFF  }
0xa5: {  	s26 =	simm.s32 $execute0_lowered;
	[smem:$0x3FD2] =	sst s25  }
0xa6: {  	s5 =	sshll.u32 s26, $0x1;
	_ =	strace $0x80000049;
	[dreg:$0x1] =	wrdreg $0xFFFFFFFF  }
0xa7: {  	s28 =	simm.s32 $_size_execute0_lowered;
	s3 =	sadd.s32 s3, s5;
	[dreg:$0x0] =	wrdreg $0x0  }
0xa8: {  	s5 =	sshll.u32 s28, $0x1;
	[dreg:$0x2] =	wrdreg s3  }
0xa9: {  	[dreg:$0x3] =	wrdreg s5  }
0xaa: {  	[dreg:$0x4] =	wrdreg $0xC0  }
0xab: {  	_ =	task [dreg:s7], $0x5FFFF  }
0xac: {  	[dreg:$0x1] =	wrdreg $0xFFFFFFFF  }
0xad: {  	[dreg:$0x0] =	wrdreg $0x60  }
0xae: {  	[dreg:$0x2] =	wrdreg s2  }
0xaf: {  	[dreg:$0x3] =	wrdreg s24  }
0xb0: {  	[dreg:$0x4] =	wrdreg $0x9  }
0xb1: {  	_ =	task.clear_ibuf [dreg:s7], $0x5FFFF;
	_ =	strace $0x90000049  }
0xb2: {  	s29 =	simm.s32 $0x9;
	_ =	strace $0x8000004B  }
0xb3: {  	_ =	swait.ge [sflag:s29], $0x1  }
0xb4: {  	[sflag:s29] =	ssyncadd.s32 $0xFFFFFFFF  }
0xb5: {  	_ =	strace $0x9000004B  }
0xb6: {  	_ =	sfence  }
0xb7: {  	s30 =	sld [smem:$0x0];
	_ =	sdelay $0x2  }
0xb8: {  	s31 =	sshll.u32 s1, $0xD;
	s1 =	sshrl.u32 s1, $0x2  }
0xb9: {  	s3 =	sand.u32 $0x4000, s31;
	s1 =	sadd.s32 s1, s30  }
0xba: {  	s0 =	sor.u32 s3, s0;
	s1 =	sshll.u32 s1, $0x11  }
0xbb: {  	s0 =	sor.u32 s1, s0  }
0xbc: {  	s0 =	sadd.s32 $0x8F2B, s0  }
0xbd: {  	[sflag:s0] =	ssyncadd.remote.s32 $0x1  }
0xbe: {  	_ =	sfence.sel $0xFFFF  }
0xbf: {  	[dreg:$0x0] =	wrdreg $0xFFFFFFFF;
	(pc) =	sbr.abs _section_cstart, $3  }
0xc0: {  	[dreg:$0x1] =	wrdreg $0xFFFFFFFF  }
0xc1: {  	_ =	task.clear_ibuf [dreg:s7], $0x2FFFF;
	_ =	strace $0x9FFFFFFF  }
0xc2: {  	(tm) =	ssettm $0x7FFFFFFF  }
0xc3: {  	_ =	shalt  }
tec
execute0_lowered:
.L_overlay_start_1:
0x0: {  	(tag) =	ssettag $0x1  }
0x1: {  	s1 =	srdreg.scid;
	s0 =	stileid.u32  }
0x2: {  	s3 =	rddreg [dreg:$0x0];
	s5 =	sand.u32 $0x1, s1;
	s4 =	sshll.u32 s0, $0x1  }
0x3: {  	s7 =	rddreg [dreg:$0x1];
	s2 =	simm.s32 $0x0;
	s4 =	sor.u32 s5, s4  }
0x4: {  	[smem:$0x7FF] =	sst s2;
	s6 =	smul.u32 $0x18, s4  }
0x5: {  	s1 =	rddreg [dreg:$0x2];
	_ =	strace $0x8000004A;
	s9 =	ssub.s32 $0x2, s5  }
0x6: {  	s8 =	smul.u32 $0xC00, s4;
	s4 =	simm.s32 $0x2;
	s3 =	sadd.s32 s3, s6  }
0x7: {  	[tilespmem:s2], [sflag:$0x2] =	stream.linear.gather [hbm4b:s3+s2], $0xC0, $0x38;
	[tilespmem:$0x6100] =	vst v63  }
0x8: {  	s31 =	sshrl.u32 s9, $0x1;
	s30 =	sadd.s32 s8, s7;
	_ =	swait.ge [sflag:s4], $0xC0  }
0x9: {  	s6 =	simm.s32 $0x100;
	s8 =	ssub.s32 s9, s31;
	[sflag:s4] =	ssyncset.done $0x0  }
0xa: {  	s5 =	sadd.s32 $0x800, s30;
	s10 =	smax.u32 s8, $0x1;
	[sflag:s4] =	ssyncadd.s32 $0xFFFFFF40  }
0xb: {  	[tilespmem:s6], [sflag:$0x2] =	stream.linear.gather [hbm4b:s5+s2], $0x6000, $0x38;
	[tilespmem:$0x6100] =	vst v63  }
0xc: {  	p0 =	sne.s32 s10, $0x1;
	_ =	swait.ge [sflag:s4], $0x6000  }
.Ltmp0:
0xd: {  	s7 =	sadd.s32 $0x18800, s7;
	[sflag:s4] =	ssyncset.done $0x0;
	(pc) =	sbr.rel @!p0 .LBB2_2-.Ltmp0, $4  }
0xe: {  	s9 =	simm.s32 $0xC0;
	s8 =	simm.s32 $0x1;
	[sflag:s4] =	ssyncadd.s32 $0xFFFFA000  }
0xf: {  	[hbm4b:s7+s9] =	stream.indirect.scatter [tilespmem:s6], [sflag:$0x1], $0x80, s2, s9, $0xb8;
	[tilespmem:$0x6100] =	vst v63  }
0x10: {  	_ =	swait.ge [sflag:s8], $0x6000  }
0x11: {  	s10 =	sadd.s32 $0xFFFFFFFF, s10;
	[sflag:s8] =	ssyncset.done $0x0  }
.LBB2_1:
0x12: {  	p0 =	sne.s32 s10, $0x1;
	s10 =	sadd.s32 $0xFFFFFFFF, s10;
	[sflag:s8] =	ssyncadd.s32 $0xFFFFA000  }
0x13: {  	[tilespmem:s2], [sflag:$0x2] =	stream.linear.gather [hbm4b:s3+s2], $0xC0, $0x38;
	[tilespmem:$0x6100] =	vst v63  }
0x14: {  	_ =	swait.ge [sflag:s4], $0xC0  }
0x15: {  	[sflag:s4] =	ssyncset.done $0x0  }
0x16: {  	[sflag:s4] =	ssyncadd.s32 $0xFFFFFF40  }
0x17: {  	[tilespmem:s6], [sflag:$0x2] =	stream.linear.gather [hbm4b:s5+s2], $0x6000, $0x38;
	[tilespmem:$0x6100] =	vst v63  }
0x18: {  	_ =	swait.ge [sflag:s4], $0x6000  }
.Ltmp1:
0x19: {  	[sflag:s4] =	ssyncset.done $0x0;
	(pc) =	sbr.rel @p0 .LBB2_1-.Ltmp1, $4  }
0x1a: {  	[sflag:s4] =	ssyncadd.s32 $0xFFFFA000  }
0x1b: {  	[hbm4b:s7+s9] =	stream.indirect.scatter [tilespmem:s6], [sflag:$0x1], $0x80, s2, s9, $0xb8;
	[tilespmem:$0x6100] =	vst v63  }
0x1c: {  	_ =	swait.ge [sflag:s8], $0x6000  }
0x1d: {  	[sflag:s8] =	ssyncset.done $0x0  }
.LBB2_2:
0x1e: {  	[sflag:s8] =	ssyncadd.s32 $0xFFFFA000  }
0x1f: {  	_ =	sfence.sel $0x180000  }
0x20: {  	[bflag:$0x0] =	sbarrier.arrive $0xFFFF  }
0x21: {  	p0 =	sne.s32 s0, $0x0;
	_ =	strace $0x9000004A  }
0x22: {  	s0 =	sadd.s32 @!p0 $0x100000, s1;
	[bflag:$0x2] =	sbarrier.arrive $0xFFFF  }
0x23: {  	[sflag:s0] =	ssyncadd.tile.s32 @!p0 $0x1;
	_ =	shalt  }
.Lfunc_end2:
_tile_overlayer_lowered:
.L_overlay_start_2:
0x24: {  	(tag) =	ssettag $0x2  }
0x25: {  	s0 =	rddreg [dreg:$0x0];
	s2 =	stileid.u32  }
0x26: {  	s1 =	rddreg [dreg:$0x1];
	p0 =	sne.s32 s2, $0x0  }
0x27: {  	s3 =	rddreg [dreg:$0x2];
	[bflag:$0x3] =	sbarrier.arrive $0xFFFF;
	s2 =	simm.s32 @!p0 $0x1C02  }
0x28: {  	[timem:s3], [sflag:s2] =	dma.local @!p0 [hbm:s0], s1  }
0x29: {  	s0 =	simm.s32 @!p0 $0x2  }
0x2a: {  	_ =	swait.ge @!p0 [sflag:s0], s1  }
0x2b: {  	s1 =	ssub.s32 @!p0 $0x0, s1;
	[sflag:s0] =	ssyncset.done @!p0 $0x0  }
0x2c: {  	[sflag:s0] =	ssyncadd.s32 @!p0 s1  }
0x2d: {  	[bflag:$0x3] =	sbarrier.arrive $0xFFFF  }
0x2e: {  	_ =	shalt  }

// kernel: _pipeline.7.cloned.1.call-start
scs
__scs_entry_jumppad:
0x0: {  	(pc) =	sbr.rel $0x88, $3  }
0x1: {  	(tag) =	ssettag $0x0;
	lr =	simm.s32 $0x1  }
0x2: {  	[smem:$0x3F9E] =	sst lr;
	_ =	strace $0xD0000000  }
0x3: {  	_ = 	snop  }
0x4: {  	_ = 	snop  }
0x5: {  	_ = 	snop  }
0x6: {  	_ = 	snop  }
0x7: {  	_ = 	snop  }
__scs_overlays_trampoline_lowered:
0x8: {  	[smem:$0x3FAD] =	sst s0  }
0x9: {  	[smem:$0x3FAE] =	sst s1  }
0xa: {  	[smem:$0x3FAF] =	sst s2  }
0xb: {  	[smem:$0x3FB0] =	sst s3  }
0xc: {  	[smem:$0x3FB1] =	sst s4  }
0xd: {  	[smem:$0x3FB2] =	sst s5  }
0xe: {  	[smem:$0x3FB3] =	sst s6  }
0xf: {  	[smem:$0x3FB4] =	sst s7  }
0x10: {  	[smem:$0x3FB5] =	sst s8  }
0x11: {  	[smem:$0x3FB6] =	sst s9;
	s0 =	simm.s32 @!p0 $0x0  }
0x12: {  	s1 =	sld [smem:$0x3F9C];
	s0 =	simm.s32 @p0 $0x1  }
0x13: {  	[smem:$0x3FB7] =	sst s0;
	s0 =	simm.s32 @!p1 $0x0  }
0x14: {  	s2 =	sld [smem:$0x3F9B];
	s0 =	simm.s32 @p1 $0x1  }
0x15: {  	[smem:$0x3FB8] =	sst s0;
	s0 =	simm.s32 @!p2 $0x0  }
0x16: {  	s3 =	sld [smem:$0x3FDB];
	s0 =	simm.s32 @p2 $0x1  }
0x17: {  	s4 =	simm.s32 $0x1BF5;
	[smem:$0x3FBA] =	sst s0  }
0x18: {  	s0 =	sld [smem:$0x3F9D];
	_ =	swait.ge [sflag:s4], $0x0  }
0x19: {  	s7 =	sld [smem:$0x3F9E]  }
0x1a: {  	s8 =	sadd.s32 $0xFFFFE003, lr  }
0x1b: {  	s9 =	sadd.s32 $0xFFFFFEF7, lr;
	s5 =	simm.s32 $0xFFFFFFFF;
	p2 =	slt.u32 s8, $0xFFFFF086  }
0x1c: {  	p1 =	slt.u32 s9, $0xF7A;
	s5 =	simm.s32 @!p2 $0x0  }
0x1d: {  	s5 =	simm.s32 @p1 $0x1;
	p0 =	seq.s32 s7, s2  }
0x1e: {  	s7 =	smul.u32 @!p0 $0xF7A, s2;
	p2 =	seq.s32 @!p0 s5, $0x0  }
0x1f: {  	s9 =	smul.u32 $0xF7A, s1;
	s8 =	simm.s32 @!p0 $0x1BF5;
	p2 =	por !p2, p0  }
0x20: {  	[sflag:s8] =	ssyncset.s32 @!p0 $0xFFFFF086;
	s6 =	sadd.s32 @!p0 s3, s7;
	s7 =	simm.s32 @!p0 $0x108  }
0x21: {  	s3 =	sadd.s32 s3, s9;
	s6 =	sadd.s32 @!p0 $0x88, s6;
	s7 =	simm.s32 @p2 $0x1082  }
0x22: {  	[simem:s7], [sflag:s8] =	dma.local @!p0 [hbm:s6], $0xF7A  }
0x23: {  	s9 =	sor.u32 $0xD0000000, s2;
	s6 =	simm.s32 $0x108;
	_ =	swait.ge @!p0 [sflag:s8], $0x0  }
0x24: {  	s3 =	sadd.s32 $0x88, s3;
	s6 =	simm.s32 @!p1 $0x1082;
	[sflag:s4] =	ssyncset.s32 $0xFFFFF086  }
0x25: {  	[simem:s6], [sflag:s4] =	dma.local [hbm:s3], $0xF7A  }
0x26: {  	[smem:$0x3F9E] =	sst s1;
	(tag) =	ssettag s2;
	_ =	strace s9  }
0x27: {  	s1 =	sld [smem:$0x3FAE]  }
0x28: {  	s2 =	sld [smem:$0x3FAF]  }
0x29: {  	s4 =	sld [smem:$0x3FB1]  }
0x2a: {  	p0 =	seq.s32 s5, $0x0;
	s5 =	sld [smem:$0x3FB2]  }
0x2b: {  	s6 =	sld [smem:$0x3FB3]  }
0x2c: {  	s7 =	sld [smem:$0x3FB4]  }
0x2d: {  	s3 =	simm.s32 $0x108;
	s8 =	sld [smem:$0x3FB5]  }
0x2e: {  	s3 =	simm.s32 @!p0 $0x1082;
	s9 =	sld [smem:$0x3FB6]  }
0x2f: {  	lr =	sadd.s32 s0, s3;
	s0 =	sld [smem:$0x3FAD]  }
0x30: {  	s3 =	sld [smem:$0x3FB0]  }
0x31: {  	[smem:$0x3FB9] =	sst s10  }
0x32: {  	s10 =	sld [smem:$0x3FB7];
	_ =	sdelay $0x3  }
0x33: {  	p0 =	seq.s32 s10, $0x1;
	s10 =	sld [smem:$0x3FB9];
	_ =	sdelay $0x3  }
0x34: {  	[smem:$0x3FB9] =	sst s10  }
0x35: {  	s10 =	sld [smem:$0x3FB8];
	_ =	sdelay $0x3  }
0x36: {  	p1 =	seq.s32 s10, $0x1;
	s10 =	sld [smem:$0x3FB9];
	_ =	sdelay $0x3  }
0x37: {  	[smem:$0x3FB9] =	sst s10  }
0x38: {  	s10 =	sld [smem:$0x3FBA]  }
0x39: {  	_ = 	snop;
	(pc) =	sbr.ind lr, $3  }
0x3a: {  	_ = 	snop  }
0x3b: {  	_ = 	snop  }
0x3c: {  	p2 =	seq.s32 s10, $0x1;
	s10 =	sld [smem:$0x3FB9]  }
0x3d: {  	_ =	shalt  }
0x3e: {  	_ =	shalt  }
0x3f: {  	_ =	shalt  }
0x40: {  	_ =	shalt  }
0x41: {  	_ =	shalt  }
0x42: {  	_ =	shalt  }
0x43: {  	_ =	shalt  }
0x44: {  	_ =	shalt  }
0x45: {  	_ =	shalt  }
0x46: {  	_ =	shalt  }
0x47: {  	_ =	shalt  }
0x48: {  	_ =	shalt  }
0x49: {  	_ =	shalt  }
0x4a: {  	_ =	shalt  }
0x4b: {  	_ =	shalt  }
0x4c: {  	_ =	shalt  }
0x4d: {  	_ =	shalt  }
0x4e: {  	_ =	shalt  }
0x4f: {  	_ =	shalt  }
0x50: {  	_ =	shalt  }
0x51: {  	_ =	shalt  }
0x52: {  	_ =	shalt  }
0x53: {  	_ =	shalt  }
0x54: {  	_ =	shalt  }
0x55: {  	_ =	shalt  }
0x56: {  	_ =	shalt  }
0x57: {  	_ =	shalt  }
0x58: {  	_ =	shalt  }
0x59: {  	_ =	shalt  }
0x5a: {  	_ =	shalt  }
0x5b: {  	_ =	shalt  }
0x5c: {  	_ =	shalt  }
0x5d: {  	_ =	shalt  }
0x5e: {  	_ =	shalt  }
0x5f: {  	_ =	shalt  }
0x60: {  	_ =	shalt  }
0x61: {  	_ =	shalt  }
0x62: {  	_ =	shalt  }
0x63: {  	_ =	shalt  }
0x64: {  	_ =	shalt  }
0x65: {  	_ =	shalt  }
0x66: {  	_ =	shalt  }
0x67: {  	_ =	shalt  }
0x68: {  	_ =	shalt  }
0x69: {  	_ =	shalt  }
0x6a: {  	_ =	shalt  }
0x6b: {  	_ =	shalt  }
0x6c: {  	_ =	shalt  }
0x6d: {  	_ =	shalt  }
0x6e: {  	_ =	shalt  }
0x6f: {  	_ =	shalt  }
0x70: {  	_ =	shalt  }
0x71: {  	_ =	shalt  }
0x72: {  	_ =	shalt  }
0x73: {  	_ =	shalt  }
0x74: {  	_ =	shalt  }
0x75: {  	_ =	shalt  }
0x76: {  	_ =	shalt  }
0x77: {  	_ =	shalt  }
0x78: {  	_ =	shalt  }
0x79: {  	_ =	shalt  }
0x7a: {  	_ =	shalt  }
0x7b: {  	_ =	shalt  }
0x7c: {  	_ =	shalt  }
0x7d: {  	_ =	shalt  }
0x7e: {  	_ =	shalt  }
0x7f: {  	_ =	shalt  }
0x80: {  	_ =	shalt  }
0x81: {  	_ =	shalt  }
0x82: {  	_ =	shalt  }
0x83: {  	_ =	shalt  }
0x84: {  	_ =	shalt  }
0x85: {  	_ =	shalt  }
0x86: {  	_ =	shalt  }
0x87: {  	_ =	shalt  }
.Lfunc_end0:
.L_simem_size_0:
called_computation_lowered:
.L_overlay_start_0:
0x88: {  	s2 =	sld [smem:$0x3FD9]  }
0x89: {  	s3 =	sld [smem:$0x3FFE];
	_ =	sdelay $0x1  }
0x8a: {  	s1 =	srdreg.scid  }
0x8b: {  	s0 =	sand.u32 $0x1, s1  }
0x8c: {  	s16 =	sshll.u32 s0, $0xA;
	s2 =	sadd.s32 s3, s2  }
0x8d: {  	s2 =	sadd.s32 s2, s16  }
0x8e: {  	[smem:$0x3FC5] =	sst s2  }
0x8f: {  	_ = 	snop  }
0x90: {  	(tm) =	ssettm $0x1  }
0x91: {  	s17 =	sld [smem:$0x3FFB];
	_ =	sdelay $0x3  }
0x92: {  	_ =	strace s17  }
0x93: {  	s2 =	sld [smem:$0x3FFC];
	_ =	sdelay $0x3  }
0x94: {  	_ =	strace s2  }
0x95: {  	s2 =	sld [smem:$0x3FFD];
	_ =	sdelay $0x3  }
0x96: {  	_ =	strace s2  }
0x97: {  	_ =	strace $0x8FFFFFFF  }
0x98: {  	s18 =	sld [smem:$0x3FDB];
	_ =	sdelay $0x1  }
0x99: {  	s19 =	simm.s32 $_scs_section_size  }
0x9a: {  	s4 =	simm.s32 $_size__tile_overlayer_lowered;
	s5 =	simm.s32 $_tile_overlayer_lowered  }
0x9b: {  	s22 =	simm.s32 $0x1BFF;
	s21 =	sshll.u32 s5, $0x1;
	s2 =	sadd.s32 s19, s18  }
0x9c: {  	s6 =	simm.s32 $0x0;
	s20 =	sshll.u32 s4, $0x1;
	s4 =	sadd.s32 s21, s2  }
0x9d: {  	[timem:s6], [sflag:s22] =	dma.local [hbm:s4], s20  }
0x9e: {  	_ =	swait.ge [sflag:s22], s20  }
0x9f: {  	s3 =	ssub.s32 $0x0, s20;
	[sflag:s22] =	ssyncset.done $0x0  }
0xa0: {  	[sflag:s22] =	ssyncadd.s32 s3;
	_ =	sdelay $0x1  }
0xa1: {  	s23 =	simm.s32 $0x1B8B  }
0xa2: {  	_ =	swait.ge [sflag:s23], $0x1  }
0xa3: {  	[sflag:s23] =	ssyncset.done $0x0  }
0xa4: {  	s25 =	simm.s32 $0x1B8E;
	s24 =	sld [smem:$0x3FFE];
	[sflag:s23] =	ssyncadd.s32 $0xFFFFFFFF  }
0xa5: {  	s26 =	simm.s32 $execute0_lowered;
	[smem:$0x3FD2] =	sst s25  }
0xa6: {  	s4 =	sshll.u32 s26, $0x1;
	_ =	strace $0x80000046;
	[dreg:$0x1] =	wrdreg $0xFFFFFFFF  }
0xa7: {  	s28 =	simm.s32 $_size_execute0_lowered;
	s2 =	sadd.s32 s2, s4;
	[dreg:$0x0] =	wrdreg $0x0  }
0xa8: {  	s4 =	sshll.u32 s28, $0x1;
	[dreg:$0x2] =	wrdreg s2  }
0xa9: {  	[dreg:$0x3] =	wrdreg s4  }
0xaa: {  	[dreg:$0x4] =	wrdreg $0xC0  }
0xab: {  	_ =	task [dreg:s6], $0x5FFFF  }
0xac: {  	[dreg:$0x1] =	wrdreg $0xFFFFFFFF  }
0xad: {  	[dreg:$0x0] =	wrdreg $0x60  }
0xae: {  	[dreg:$0x2] =	wrdreg s24  }
0xaf: {  	[dreg:$0x3] =	wrdreg $0x9  }
0xb0: {  	_ =	task.clear_ibuf [dreg:s6], $0x4FFFF;
	_ =	strace $0x90000046  }
0xb1: {  	s29 =	simm.s32 $0x9;
	_ =	strace $0x80000048  }
0xb2: {  	_ =	swait.ge [sflag:s29], $0x1  }
0xb3: {  	[sflag:s29] =	ssyncadd.s32 $0xFFFFFFFF  }
0xb4: {  	_ =	strace $0x90000048  }
0xb5: {  	_ =	sfence  }
0xb6: {  	s30 =	sld [smem:$0x0];
	_ =	sdelay $0x2  }
0xb7: {  	s31 =	sshll.u32 s1, $0xD;
	s1 =	sshrl.u32 s1, $0x2  }
0xb8: {  	s3 =	sand.u32 $0x4000, s31;
	s1 =	sadd.s32 s1, s30  }
0xb9: {  	s0 =	sor.u32 s3, s0;
	s1 =	sshll.u32 s1, $0x11  }
0xba: {  	s0 =	sor.u32 s1, s0  }
0xbb: {  	s0 =	sadd.s32 $0x8F2B, s0  }
0xbc: {  	[sflag:s0] =	ssyncadd.remote.s32 $0x1  }
0xbd: {  	_ =	sfence.sel $0xFFFF  }
0xbe: {  	[dreg:$0x0] =	wrdreg $0xFFFFFFFF;
	(pc) =	sbr.abs _section_cstart, $3  }
0xbf: {  	[dreg:$0x1] =	wrdreg $0xFFFFFFFF  }
0xc0: {  	_ =	task.clear_ibuf [dreg:s6], $0x2FFFF;
	_ =	strace $0x9FFFFFFF  }
0xc1: {  	(tm) =	ssettm $0x7FFFFFFF  }
tec
execute0_lowered:
.L_overlay_start_1:
0x0: {  	(tag) =	ssettag $0x1  }
0x1: {  	s1 =	srdreg.scid;
	s0 =	stileid.u32  }
0x2: {  	s5 =	sand.u32 $0x1, s1;
	s31 =	sshll.u32 s0, $0x1  }
0x3: {  	s7 =	rddreg [dreg:$0x0];
	s2 =	simm.s32 $0x0;
	s3 =	sor.u32 s5, s31  }
0x4: {  	[smem:$0x7FF] =	sst s2;
	s4 =	smul.u32 $0x50, s3  }
0x5: {  	s1 =	rddreg [dreg:$0x1];
	_ =	strace $0x80000047  }
0x6: {  	s8 =	ssub.s32 $0x2, s5;
	s6 =	smul.u32 $0x2800, s3;
	s4 =	sadd.s32 s4, s7  }
0x7: {  	s9 =	sshrl.u32 s8, $0x1;
	s3 =	sadd.s32 $0x800, s4;
	s4 =	simm.s32 $0x2  }
0x8: {  	[tilespmem:s2], [sflag:$0x2] =	stream.linear.gather [hbm4b:s3+s2], $0x280, $0x38;
	[tilespmem:$0x14280] =	vst v63  }
0x9: {  	s8 =	ssub.s32 s8, s9;
	_ =	swait.ge [sflag:s4], $0x280  }
0xa: {  	s6 =	sadd.s32 s6, s7;
	s9 =	smax.u32 s8, $0x1;
	[sflag:s4] =	ssyncset.done $0x0  }
0xb: {  	s5 =	sadd.s32 $0x1200, s6;
	s6 =	simm.s32 $0x280;
	[sflag:s4] =	ssyncadd.s32 $0xFFFFFD80  }
0xc: {  	[tilespmem:s6], [sflag:$0x2] =	stream.linear.gather [hbm4b:s5+s2], $0x14000, $0x38;
	[tilespmem:$0x14280] =	vst v63  }
0xd: {  	p0 =	sne.s32 s9, $0x1;
	_ =	swait.ge [sflag:s4], $0x14000  }
.Ltmp0:
0xe: {  	[sflag:s4] =	ssyncset.done $0x0;
	(pc) =	sbr.rel @!p0 .LBB2_2-.Ltmp0, $4  }
0xf: {  	s7 =	sadd.s32 $0x51200, s7;
	s8 =	simm.s32 $0x1;
	[sflag:s4] =	ssyncadd.s32 $0xFFFEC000  }
0x10: {  	[hbm4b:s7+s6] =	stream.indirect.scatter [tilespmem:s6], [sflag:$0x1], $0x80, s2, s6, $0xb8;
	[tilespmem:$0x14280] =	vst v63  }
0x11: {  	_ =	swait.ge [sflag:s8], $0x14000  }
0x12: {  	s9 =	sadd.s32 $0xFFFFFFFF, s9;
	[sflag:s8] =	ssyncset.done $0x0  }
.LBB2_1:
0x13: {  	p0 =	sne.s32 s9, $0x1;
	s9 =	sadd.s32 $0xFFFFFFFF, s9;
	[sflag:s8] =	ssyncadd.s32 $0xFFFEC000  }
0x14: {  	[tilespmem:s2], [sflag:$0x2] =	stream.linear.gather [hbm4b:s3+s2], $0x280, $0x38;
	[tilespmem:$0x14280] =	vst v63  }
0x15: {  	_ =	swait.ge [sflag:s4], $0x280  }
0x16: {  	[sflag:s4] =	ssyncset.done $0x0  }
0x17: {  	[sflag:s4] =	ssyncadd.s32 $0xFFFFFD80  }
0x18: {  	[tilespmem:s6], [sflag:$0x2] =	stream.linear.gather [hbm4b:s5+s2], $0x14000, $0x38;
	[tilespmem:$0x14280] =	vst v63  }
0x19: {  	_ =	swait.ge [sflag:s4], $0x14000  }
.Ltmp1:
0x1a: {  	[sflag:s4] =	ssyncset.done $0x0;
	(pc) =	sbr.rel @p0 .LBB2_1-.Ltmp1, $4  }
0x1b: {  	[sflag:s4] =	ssyncadd.s32 $0xFFFEC000  }
0x1c: {  	[hbm4b:s7+s6] =	stream.indirect.scatter [tilespmem:s6], [sflag:$0x1], $0x80, s2, s6, $0xb8;
	[tilespmem:$0x14280] =	vst v63  }
0x1d: {  	_ =	swait.ge [sflag:s8], $0x14000  }
0x1e: {  	[sflag:s8] =	ssyncset.done $0x0  }
.LBB2_2:
0x1f: {  	[sflag:s8] =	ssyncadd.s32 $0xFFFEC000  }
0x20: {  	_ =	sfence.sel $0x180000  }
0x21: {  	[bflag:$0x0] =	sbarrier.arrive $0xFFFF  }
0x22: {  	p0 =	sne.s32 s0, $0x0;
	_ =	strace $0x90000047  }
0x23: {  	s0 =	sadd.s32 @!p0 $0x100000, s1;
	[bflag:$0x2] =	sbarrier.arrive $0xFFFF  }
0x24: {  	[sflag:s0] =	ssyncadd.tile.s32 @!p0 $0x1;
	_ =	shalt  }
.Lfunc_end2:
_tile_overlayer_lowered:
.L_overlay_start_2:
0x25: {  	(tag) =	ssettag $0x2  }
0x26: {  	s0 =	rddreg [dreg:$0x0];
	s2 =	stileid.u32  }
0x27: {  	s1 =	rddreg [dreg:$0x1];
	p0 =	sne.s32 s2, $0x0  }
0x28: {  	s3 =	rddreg [dreg:$0x2];
	[bflag:$0x3] =	sbarrier.arrive $0xFFFF;
	s2 =	simm.s32 @!p0 $0x1C02  }
0x29: {  	[timem:s3], [sflag:s2] =	dma.local @!p0 [hbm:s0], s1  }
0x2a: {  	s0 =	simm.s32 @!p0 $0x2  }
0x2b: {  	_ =	swait.ge @!p0 [sflag:s0], s1  }
0x2c: {  	s1 =	ssub.s32 @!p0 $0x0, s1;
	[sflag:s0] =	ssyncset.done @!p0 $0x0  }
0x2d: {  	[sflag:s0] =	ssyncadd.s32 @!p0 s1  }
0x2e: {  	[bflag:$0x3] =	sbarrier.arrive $0xFFFF  }
0x2f: {  	_ =	shalt  }

</sc_bundles>
